<compile_context>
chip_gen: v7x
topology: tpu7x:2x2x1
jax: 0.10.2.dev20260603
libtpu: 0.0.44.dev20260713+nightly
codegen_flags: <defaults>
</compile_context>

<pallas_src>
import functools

import jax
import jax.numpy as jnp
from jax import lax
from jax.experimental import pallas as pl
from jax.experimental.pallas import tpu as pltpu
from jax.experimental.pallas import tpu_sc as plsc

_ENCODER_SIZE = 128
_PROJ_BLOCK = 16384
_CHUNK = 128


def _project_body(tt_ref, wt_ref, b_ref, o_ref):
    acc = lax.dot_general(
        tt_ref[...],
        wt_ref[...],
        dimension_numbers=(((0,), (0,)), ((), ())),
        preferred_element_type=jnp.float32,
    )
    o_ref[...] = acc + b_ref[...]

    @pl.when(pl.program_id(0) == 0)
    def _():
        o_ref[0:1, :] = b_ref[...]


def _make_project(item_num: int, embed_dim: int):
    grid = (pl.cdiv(item_num, _PROJ_BLOCK),)
    return pl.pallas_call(
        _project_body,
        grid=grid,
        in_specs=[
            pl.BlockSpec((embed_dim, _PROJ_BLOCK), lambda i: (0, i)),
            pl.BlockSpec((embed_dim, _ENCODER_SIZE), lambda i: (0, 0)),
            pl.BlockSpec((1, _ENCODER_SIZE), lambda i: (0, 0)),
        ],
        out_specs=pl.BlockSpec((_PROJ_BLOCK, _ENCODER_SIZE), lambda i: (i, 0)),
        out_shape=jax.ShapeDtypeStruct((item_num, _ENCODER_SIZE), jnp.float32),
    )


def _make_sc_gather(batch: int, num_docs: int):
    info = plsc.get_sparse_core_info()
    nw = info.num_cores * info.num_subcores
    chunks = batch // _CHUNK
    cpw = chunks // nw
    assert cpw * nw == chunks

    mesh = plsc.VectorSubcoreMesh(core_axis_name="c", subcore_axis_name="s")

    @functools.partial(
        pl.kernel,
        out_type=jax.ShapeDtypeStruct(
            (num_docs, batch, _ENCODER_SIZE), jnp.float32
        ),
        mesh=mesh,
        scratch_types=[
            pltpu.VMEM((num_docs, cpw * _CHUNK), jnp.int32),
        ]
        + [pltpu.VMEM((_CHUNK, _ENCODER_SIZE), jnp.float32)] * 4
        + [pltpu.SemaphoreType.DMA] * 8,
    )
    def sc_gather(ids_hbm, ptb_hbm, out_hbm, ids_v, *bufs_and_sems):
        rows = list(bufs_and_sems[0:4])
        g = list(bufs_and_sems[4:8])
        o = list(bufs_and_sems[8:12])
        wid = lax.axis_index("s") * info.num_cores + lax.axis_index("c")
        bbase = wid * cpw * _CHUNK
        pltpu.sync_copy(
            ids_hbm.at[:, pl.ds(bbase, cpw * _CHUNK)], ids_v
        )

        ntasks = num_docs * cpw

        def task_refs(t):
            d = t // cpw
            c = t % cpw
            idx = ids_v.at[d, pl.ds(c * _CHUNK, _CHUNK)]
            dst = out_hbm.at[d, pl.ds(bbase + c * _CHUNK, _CHUNK)]
            return idx, dst

        def gather(t, buf, sem):
            idx, _ = task_refs(t)
            pltpu.async_copy(ptb_hbm.at[idx], buf, sem)

        def gather_wait(buf, sem):
            idx, _ = task_refs(0)
            pltpu.make_async_copy(ptb_hbm.at[idx], buf, sem).wait()

        def put(t, buf, sem):
            _, dst = task_refs(t)
            pltpu.async_copy(buf, dst, sem)

        def put_wait(t, buf, sem):
            _, dst = task_refs(t)
            pltpu.make_async_copy(buf, dst, sem).wait()

        for b in range(4):
            gather(b, rows[b], g[b])

        def quad(k, _):
            t0 = 4 * k
            for b in range(4):
                gather_wait(rows[b], g[b])
                put(t0 + b, rows[b], o[b])
            for b in range(4):
                put_wait(t0 + b, rows[b], o[b])

                @pl.when(t0 + b + 4 < ntasks)
                def _(b=b):
                    gather(t0 + b + 4, rows[b], g[b])

            return ()

        lax.fori_loop(0, ntasks // 4, quad, ())

    return sc_gather


def kernel(news_ids, table, W, b):
    batch, num_docs = news_ids.shape
    item_num, embed_dim = table.shape

    ptb = _make_project(item_num, embed_dim)(
        table.T, W.T, b.reshape(1, _ENCODER_SIZE)
    )
    out_t = _make_sc_gather(batch, num_docs)(
        news_ids.T.astype(jnp.int32), ptb
    )
    return out_t.transpose(1, 0, 2)

# --- scband reference (transcript-rebuilt; emitter-appended) ---
"""Pipeline reference for scband-text-encoder-45724221833610 (READ-ONLY COPY).

The authoritative reference and input builder live on the scoring server;
editing this copy changes nothing except your own understanding.
"""

import jax, jax.numpy as jnp
import numpy as np

ITEM_NUM = 1000000
EMBED_DIM = 64
ENCODER_SIZE = 128
BATCH = 16384
NUM_DOCS = 50


def setup_inputs(seed: int = 0) -> dict:
    key = jax.random.key(seed)
    k1, k2, k3, k4 = jax.random.split(key, 4)
    news_ids = jax.random.randint(k1, (BATCH, NUM_DOCS), 0, ITEM_NUM, dtype=jnp.int64 if jax.config.jax_enable_x64 else jnp.int32)
    table = jax.random.normal(k2, (ITEM_NUM, EMBED_DIM), dtype=jnp.float32) * 0.02
    W = jax.random.normal(k3, (ENCODER_SIZE, EMBED_DIM), dtype=jnp.float32) * (1.0 / np.sqrt(EMBED_DIM))
    b = jax.random.normal(k4, (ENCODER_SIZE,), dtype=jnp.float32) * 0.01
    return {"news_ids": news_ids, "table": table, "W": W, "b": b}


def reference(news_ids, table, W, b):
    # nn.Embedding with padding_idx=0: row 0 is the (zero) padding vector
    t = table.at[0].set(0.0)
    news_vecs = jnp.take(t, news_ids, axis=0)          # [B, num_docs, embed_dim]
    out = jnp.dot(news_vecs, W.T) + b                   # [B, num_docs, encoder_size]
    return out

if __name__ == "__main__":
    import jax
    _d = setup_inputs()
    print(jax.jit(kernel)(*tuple(_d.values())))

</pallas_src>

<mosaic_0001>
#map = affine_map<(d0, d1) -> (0, 0)>
#map1 = affine_map<(d0, d1) -> (0, 0, 0)>
module attributes {stable_mosaic.version = 14 : i64} {
  func.func @sc_gather(%arg0: i32, %arg1: i32, %arg2: memref<50x16384xi32, #tpu.memory_space<hbm>>, %arg3: memref<1000000x128xf32, #tpu.memory_space<hbm>>, %arg4: memref<50x16384x128xf32, #tpu.memory_space<hbm>>, %arg5: memref<50x512xi32, #tpu.memory_space<vmem>>, %arg6: memref<128x128xf32, #tpu.memory_space<vmem>>, %arg7: memref<128x128xf32, #tpu.memory_space<vmem>>, %arg8: memref<128x128xf32, #tpu.memory_space<vmem>>, %arg9: memref<128x128xf32, #tpu.memory_space<vmem>>, %arg10: memref<!tpu.dma_semaphore, #tpu.memory_space<semaphore_mem>>, %arg11: memref<!tpu.dma_semaphore, #tpu.memory_space<semaphore_mem>>, %arg12: memref<!tpu.dma_semaphore, #tpu.memory_space<semaphore_mem>>, %arg13: memref<!tpu.dma_semaphore, #tpu.memory_space<semaphore_mem>>, %arg14: memref<!tpu.dma_semaphore, #tpu.memory_space<semaphore_mem>>, %arg15: memref<!tpu.dma_semaphore, #tpu.memory_space<semaphore_mem>>, %arg16: memref<!tpu.dma_semaphore, #tpu.memory_space<semaphore_mem>>, %arg17: memref<!tpu.dma_semaphore, #tpu.memory_space<semaphore_mem>>) attributes {dimension_semantics = [#tpu.dimension_semantics<core_parallel>, #tpu.dimension_semantics<subcore_parallel>], iteration_bounds = array<i64: 2, 16>, scalar_prefetch = 0 : i64, scratch_operands = 13 : i64, tpu.core_type = #tpu.core_type<sc_vector_subcore>, window_params = [{transform_indices = #map}, {transform_indices = #map}, {transform_indices = #map1}]} {
    %mul3A = arith.constant 2 : i32
    %mul3A_0 = arith.muli %arg1, %mul3A : i32
    %add3A = arith.addi %mul3A_0, %arg0 : i32
    %mul3A_1 = arith.constant 4 : i32
    %mul3A_2 = arith.muli %add3A, %mul3A_1 : i32
    %mul3A_3 = arith.constant 128 : i32
    %mul3A_4 = arith.muli %mul3A_2, %mul3A_3 : i32
    "tpu.region"() ({
      %run_scoped3A = tpu.sem_alloc : memref<!tpu.dma_semaphore, #tpu.memory_space<semaphore_mem>>
      %dma_start3A_44 = arith.constant 0 : i32
      %dma_start3A_45 = tpu.memref_slice %arg2[%dma_start3A_44, %mul3A_4] : memref<50x16384xi32, #tpu.memory_space<hbm>> -> memref<50x512xi32, #tpu.memory_space<hbm>>
      %dma_start3A_46 = arith.constant 0 : i32
      %dma_start3A_47 = tpu.memref_slice %arg2[%dma_start3A_46, %mul3A_4] : memref<50x16384xi32, #tpu.memory_space<hbm>> -> memref<50x512xi32, #tpu.memory_space<hbm>>
      tpu.enqueue_dma source(%dma_start3A_47 : memref<50x512xi32, #tpu.memory_space<hbm>>) target(%arg5 : memref<50x512xi32, #tpu.memory_space<vmem>>) target_semaphore(%run_scoped3A : memref<!tpu.dma_semaphore, #tpu.memory_space<semaphore_mem>>)
      %dma_wait3A = arith.constant 0 : i32
      %dma_wait3A_48 = tpu.memref_slice %arg2[%dma_wait3A, %mul3A_4] : memref<50x16384xi32, #tpu.memory_space<hbm>> -> memref<50x512xi32, #tpu.memory_space<hbm>>
      %dma_wait3A_49 = arith.constant 0 : i32
      %dma_wait3A_50 = tpu.memref_slice %arg2[%dma_wait3A_49, %mul3A_4] : memref<50x16384xi32, #tpu.memory_space<hbm>> -> memref<50x512xi32, #tpu.memory_space<hbm>>
      tpu.wait_dma2 semaphore(%run_scoped3A : memref<!tpu.dma_semaphore, #tpu.memory_space<semaphore_mem>>) src(%dma_wait3A_50 : memref<50x512xi32, #tpu.memory_space<hbm>>) dst(%arg5 : memref<50x512xi32, #tpu.memory_space<vmem>>)
      tpu.yield
    }) : () -> ()
    %add3A_5 = arith.constant 0 : i32
    %add3A_6 = arith.addi %mul3A_4, %add3A_5 : i32
    %dma_start3A = arith.constant 0 : i32
    %dma_start3A_7 = arith.constant 0 : i32
    %dma_start3A_8 = tpu.memref_slice %arg5[%dma_start3A, %dma_start3A_7] : memref<50x512xi32, #tpu.memory_space<vmem>> -> memref<1x128xi32, #tpu.memory_space<vmem>>
    %dma_start3A_9 = tpu.memref_squeeze %dma_start3A_8 : memref<1x128xi32, #tpu.memory_space<vmem>> -> memref<128xi32, #tpu.memory_space<vmem>>
    %dma_start3A_10 = arith.constant 0 : i32
    %dma_start3A_11 = arith.constant 0 : i32
    %dma_start3A_12 = tpu.memref_slice %arg3[%dma_start3A_10, %dma_start3A_11] : memref<1000000x128xf32, #tpu.memory_space<hbm>> -> memref<1000000x128xf32, #tpu.memory_space<hbm>>
    tpu.enqueue_indirect_dma source(%dma_start3A_12 : memref<1000000x128xf32, #tpu.memory_space<hbm>>) target(%arg6 : memref<128x128xf32, #tpu.memory_space<vmem>>) offsets(%dma_start3A_9 : memref<128xi32, #tpu.memory_space<vmem>>) semaphore(%arg10 : memref<!tpu.dma_semaphore, #tpu.memory_space<semaphore_mem>>)
    %add3A_13 = arith.constant 128 : i32
    %add3A_14 = arith.addi %mul3A_4, %add3A_13 : i32
    %dma_start3A_15 = arith.constant 0 : i32
    %dma_start3A_16 = arith.constant 128 : i32
    %dma_start3A_17 = tpu.memref_slice %arg5[%dma_start3A_15, %dma_start3A_16] : memref<50x512xi32, #tpu.memory_space<vmem>> -> memref<1x128xi32, #tpu.memory_space<vmem>>
    %dma_start3A_18 = tpu.memref_squeeze %dma_start3A_17 : memref<1x128xi32, #tpu.memory_space<vmem>> -> memref<128xi32, #tpu.memory_space<vmem>>
    %dma_start3A_19 = arith.constant 0 : i32
    %dma_start3A_20 = arith.constant 0 : i32
    %dma_start3A_21 = tpu.memref_slice %arg3[%dma_start3A_19, %dma_start3A_20] : memref<1000000x128xf32, #tpu.memory_space<hbm>> -> memref<1000000x128xf32, #tpu.memory_space<hbm>>
    tpu.enqueue_indirect_dma source(%dma_start3A_21 : memref<1000000x128xf32, #tpu.memory_space<hbm>>) target(%arg7 : memref<128x128xf32, #tpu.memory_space<vmem>>) offsets(%dma_start3A_18 : memref<128xi32, #tpu.memory_space<vmem>>) semaphore(%arg11 : memref<!tpu.dma_semaphore, #tpu.memory_space<semaphore_mem>>)
    %add3A_22 = arith.constant 256 : i32
    %add3A_23 = arith.addi %mul3A_4, %add3A_22 : i32
    %dma_start3A_24 = arith.constant 0 : i32
    %dma_start3A_25 = arith.constant 256 : i32
    %dma_start3A_26 = tpu.memref_slice %arg5[%dma_start3A_24, %dma_start3A_25] : memref<50x512xi32, #tpu.memory_space<vmem>> -> memref<1x128xi32, #tpu.memory_space<vmem>>
    %dma_start3A_27 = tpu.memref_squeeze %dma_start3A_26 : memref<1x128xi32, #tpu.memory_space<vmem>> -> memref<128xi32, #tpu.memory_space<vmem>>
    %dma_start3A_28 = arith.constant 0 : i32
    %dma_start3A_29 = arith.constant 0 : i32
    %dma_start3A_30 = tpu.memref_slice %arg3[%dma_start3A_28, %dma_start3A_29] : memref<1000000x128xf32, #tpu.memory_space<hbm>> -> memref<1000000x128xf32, #tpu.memory_space<hbm>>
    tpu.enqueue_indirect_dma source(%dma_start3A_30 : memref<1000000x128xf32, #tpu.memory_space<hbm>>) target(%arg8 : memref<128x128xf32, #tpu.memory_space<vmem>>) offsets(%dma_start3A_27 : memref<128xi32, #tpu.memory_space<vmem>>) semaphore(%arg12 : memref<!tpu.dma_semaphore, #tpu.memory_space<semaphore_mem>>)
    %add3A_31 = arith.constant 384 : i32
    %add3A_32 = arith.addi %mul3A_4, %add3A_31 : i32
    %dma_start3A_33 = arith.constant 0 : i32
    %dma_start3A_34 = arith.constant 384 : i32
    %dma_start3A_35 = tpu.memref_slice %arg5[%dma_start3A_33, %dma_start3A_34] : memref<50x512xi32, #tpu.memory_space<vmem>> -> memref<1x128xi32, #tpu.memory_space<vmem>>
    %dma_start3A_36 = tpu.memref_squeeze %dma_start3A_35 : memref<1x128xi32, #tpu.memory_space<vmem>> -> memref<128xi32, #tpu.memory_space<vmem>>
    %dma_start3A_37 = arith.constant 0 : i32
    %dma_start3A_38 = arith.constant 0 : i32
    %dma_start3A_39 = tpu.memref_slice %arg3[%dma_start3A_37, %dma_start3A_38] : memref<1000000x128xf32, #tpu.memory_space<hbm>> -> memref<1000000x128xf32, #tpu.memory_space<hbm>>
    tpu.enqueue_indirect_dma source(%dma_start3A_39 : memref<1000000x128xf32, #tpu.memory_space<hbm>>) target(%arg9 : memref<128x128xf32, #tpu.memory_space<vmem>>) offsets(%dma_start3A_36 : memref<128xi32, #tpu.memory_space<vmem>>) semaphore(%arg13 : memref<!tpu.dma_semaphore, #tpu.memory_space<semaphore_mem>>)
    %scan3A = arith.constant 0 : i32
    %scan3A_40 = arith.constant 50 : i32
    %scan3A_41 = arith.addi %scan3A, %scan3A_40 : i32
    %scan3A_42 = arith.constant 1 : i32
    scf.for %scan3A_44 = %scan3A to %scan3A_41 step %scan3A_42  : i32 {
      %mul3A_45 = arith.constant 4 : i32
      %mul3A_46 = arith.muli %mul3A_45, %scan3A_44 : i32
      %add3A_47 = arith.constant 0 : i32
      %add3A_48 = arith.addi %mul3A_4, %add3A_47 : i32
      %dma_wait3A = arith.constant 0 : i32
      %dma_wait3A_49 = arith.constant 0 : i32
      %dma_wait3A_50 = tpu.memref_slice %arg5[%dma_wait3A, %dma_wait3A_49] : memref<50x512xi32, #tpu.memory_space<vmem>> -> memref<1x128xi32, #tpu.memory_space<vmem>>
      %dma_wait3A_51 = tpu.memref_squeeze %dma_wait3A_50 : memref<1x128xi32, #tpu.memory_space<vmem>> -> memref<128xi32, #tpu.memory_space<vmem>>
      %dma_wait3A_52 = arith.constant 0 : i32
      %dma_wait3A_53 = arith.constant 0 : i32
      %dma_wait3A_54 = tpu.memref_slice %arg3[%dma_wait3A_52, %dma_wait3A_53] : memref<1000000x128xf32, #tpu.memory_space<hbm>> -> memref<1000000x128xf32, #tpu.memory_space<hbm>>
      tpu.wait_indirect_dma semaphore(%arg10 : memref<!tpu.dma_semaphore, #tpu.memory_space<semaphore_mem>>) src(%dma_wait3A_54 : memref<1000000x128xf32, #tpu.memory_space<hbm>>) dst(%arg6 : memref<128x128xf32, #tpu.memory_space<vmem>>)
      %add3A_55 = arith.constant 0 : i32
      %add3A_56 = arith.addi %mul3A_46, %add3A_55 : i32
      %jit3A = arith.constant 4 : i32
      %div3A = arith.divsi %add3A_56, %jit3A : i32
      %sign3A = arith.constant 0 : i32
      %sign3A_57 = arith.cmpi sgt, %add3A_56, %sign3A : i32
      %sign3A_58 = arith.extui %sign3A_57 : i1 to i32
      %sign3A_59 = arith.constant 0 : i32
      %sign3A_60 = arith.cmpi slt, %add3A_56, %sign3A_59 : i32
      %sign3A_61 = arith.extui %sign3A_60 : i1 to i32
      %sign3A_62 = arith.subi %sign3A_58, %sign3A_61 : i32
      %sign3A_63 = arith.constant 0 : i32
      %sign3A_64 = arith.cmpi sgt, %jit3A, %sign3A_63 : i32
      %sign3A_65 = arith.extui %sign3A_64 : i1 to i32
      %sign3A_66 = arith.constant 0 : i32
      %sign3A_67 = arith.cmpi slt, %jit3A, %sign3A_66 : i32
      %sign3A_68 = arith.extui %sign3A_67 : i1 to i32
      %sign3A_69 = arith.subi %sign3A_65, %sign3A_68 : i32
      %ne3A = arith.cmpi ne, %sign3A_62, %sign3A_69 : i32
      %rem3A = arith.remsi %add3A_56, %jit3A : i32
      %ne3A_70 = arith.constant 0 : i32
      %ne3A_71 = arith.cmpi ne, %rem3A, %ne3A_70 : i32
      %and3A = arith.andi %ne3A, %ne3A_71 : i1
      %sub3A = arith.constant 1 : i32
      %sub3A_72 = arith.subi %div3A, %sub3A : i32
      %select_n3A = arith.select %and3A, %sub3A_72, %div3A : i32
      %jit3A_73 = arith.constant 4 : i32
      %eq3A = arith.constant 0 : i32
      %eq3A_74 = arith.cmpi eq, %jit3A_73, %eq3A : i32
      %jit3A_75 = arith.constant 1 : i32
      %select_n3A_76 = arith.select %eq3A_74, %jit3A_75, %jit3A_73 : i32
      %rem3A_77 = arith.remsi %add3A_56, %select_n3A_76 : i32
      %ne3A_78 = arith.constant 0 : i32
      %ne3A_79 = arith.cmpi ne, %rem3A_77, %ne3A_78 : i32
      %lt3A = arith.constant 0 : i32
      %lt3A_80 = arith.cmpi slt, %rem3A_77, %lt3A : i32
      %lt3A_81 = arith.constant 0 : i32
      %lt3A_82 = arith.cmpi slt, %select_n3A_76, %lt3A_81 : i32
      %ne3A_83 = arith.xori %lt3A_80, %lt3A_82 : i1
      %and3A_84 = arith.andi %ne3A_83, %ne3A_79 : i1
      %add3A_85 = arith.addi %rem3A_77, %select_n3A_76 : i32
      %select_n3A_86 = arith.select %and3A_84, %add3A_85, %rem3A_77 : i32
      %mul3A_87 = arith.constant 128 : i32
      %mul3A_88 = arith.muli %select_n3A_86, %mul3A_87 : i32
      %mul3A_89 = arith.constant 128 : i32
      %mul3A_90 = arith.muli %select_n3A_86, %mul3A_89 : i32
      %add3A_91 = arith.addi %mul3A_4, %mul3A_90 : i32
      %dma_start3A_92 = arith.constant 0 : i32
      %dma_start3A_93 = tpu.memref_slice %arg4[%select_n3A, %add3A_91, %dma_start3A_92] : memref<50x16384x128xf32, #tpu.memory_space<hbm>> -> memref<1x128x128xf32, #tpu.memory_space<hbm>>
      %dma_start3A_94 = tpu.memref_squeeze %dma_start3A_93 : memref<1x128x128xf32, #tpu.memory_space<hbm>> -> memref<128x128xf32, #tpu.memory_space<hbm>>
      %dma_start3A_95 = arith.constant 0 : i32
      %dma_start3A_96 = tpu.memref_slice %arg4[%select_n3A, %add3A_91, %dma_start3A_95] : memref<50x16384x128xf32, #tpu.memory_space<hbm>> -> memref<1x128x128xf32, #tpu.memory_space<hbm>>
      %dma_start3A_97 = tpu.memref_squeeze %dma_start3A_96 : memref<1x128x128xf32, #tpu.memory_space<hbm>> -> memref<128x128xf32, #tpu.memory_space<hbm>>
      tpu.enqueue_dma source(%arg6 : memref<128x128xf32, #tpu.memory_space<vmem>>) target(%dma_start3A_97 : memref<128x128xf32, #tpu.memory_space<hbm>>) target_semaphore(%arg14 : memref<!tpu.dma_semaphore, #tpu.memory_space<semaphore_mem>>)
      %add3A_98 = arith.constant 0 : i32
      %add3A_99 = arith.addi %mul3A_4, %add3A_98 : i32
      %dma_wait3A_100 = arith.constant 0 : i32
      %dma_wait3A_101 = arith.constant 0 : i32
      %dma_wait3A_102 = tpu.memref_slice %arg5[%dma_wait3A_100, %dma_wait3A_101] : memref<50x512xi32, #tpu.memory_space<vmem>> -> memref<1x128xi32, #tpu.memory_space<vmem>>
      %dma_wait3A_103 = tpu.memref_squeeze %dma_wait3A_102 : memref<1x128xi32, #tpu.memory_space<vmem>> -> memref<128xi32, #tpu.memory_space<vmem>>
      %dma_wait3A_104 = arith.constant 0 : i32
      %dma_wait3A_105 = arith.constant 0 : i32
      %dma_wait3A_106 = tpu.memref_slice %arg3[%dma_wait3A_104, %dma_wait3A_105] : memref<1000000x128xf32, #tpu.memory_space<hbm>> -> memref<1000000x128xf32, #tpu.memory_space<hbm>>
      tpu.wait_indirect_dma semaphore(%arg11 : memref<!tpu.dma_semaphore, #tpu.memory_space<semaphore_mem>>) src(%dma_wait3A_106 : memref<1000000x128xf32, #tpu.memory_space<hbm>>) dst(%arg7 : memref<128x128xf32, #tpu.memory_space<vmem>>)
      %add3A_107 = arith.constant 1 : i32
      %add3A_108 = arith.addi %mul3A_46, %add3A_107 : i32
      %jit3A_109 = arith.constant 4 : i32
      %div3A_110 = arith.divsi %add3A_108, %jit3A_109 : i32
      %sign3A_111 = arith.constant 0 : i32
      %sign3A_112 = arith.cmpi sgt, %add3A_108, %sign3A_111 : i32
      %sign3A_113 = arith.extui %sign3A_112 : i1 to i32
      %sign3A_114 = arith.constant 0 : i32
      %sign3A_115 = arith.cmpi slt, %add3A_108, %sign3A_114 : i32
      %sign3A_116 = arith.extui %sign3A_115 : i1 to i32
      %sign3A_117 = arith.subi %sign3A_113, %sign3A_116 : i32
      %sign3A_118 = arith.constant 0 : i32
      %sign3A_119 = arith.cmpi sgt, %jit3A_109, %sign3A_118 : i32
      %sign3A_120 = arith.extui %sign3A_119 : i1 to i32
      %sign3A_121 = arith.constant 0 : i32
      %sign3A_122 = arith.cmpi slt, %jit3A_109, %sign3A_121 : i32
      %sign3A_123 = arith.extui %sign3A_122 : i1 to i32
      %sign3A_124 = arith.subi %sign3A_120, %sign3A_123 : i32
      %ne3A_125 = arith.cmpi ne, %sign3A_117, %sign3A_124 : i32
      %rem3A_126 = arith.remsi %add3A_108, %jit3A_109 : i32
      %ne3A_127 = arith.constant 0 : i32
      %ne3A_128 = arith.cmpi ne, %rem3A_126, %ne3A_127 : i32
      %and3A_129 = arith.andi %ne3A_125, %ne3A_128 : i1
      %sub3A_130 = arith.constant 1 : i32
      %sub3A_131 = arith.subi %div3A_110, %sub3A_130 : i32
      %select_n3A_132 = arith.select %and3A_129, %sub3A_131, %div3A_110 : i32
      %jit3A_133 = arith.constant 4 : i32
      %eq3A_134 = arith.constant 0 : i32
      %eq3A_135 = arith.cmpi eq, %jit3A_133, %eq3A_134 : i32
      %jit3A_136 = arith.constant 1 : i32
      %select_n3A_137 = arith.select %eq3A_135, %jit3A_136, %jit3A_133 : i32
      %rem3A_138 = arith.remsi %add3A_108, %select_n3A_137 : i32
      %ne3A_139 = arith.constant 0 : i32
      %ne3A_140 = arith.cmpi ne, %rem3A_138, %ne3A_139 : i32
      %lt3A_141 = arith.constant 0 : i32
      %lt3A_142 = arith.cmpi slt, %rem3A_138, %lt3A_141 : i32
      %lt3A_143 = arith.constant 0 : i32
      %lt3A_144 = arith.cmpi slt, %select_n3A_137, %lt3A_143 : i32
      %ne3A_145 = arith.xori %lt3A_142, %lt3A_144 : i1
      %and3A_146 = arith.andi %ne3A_145, %ne3A_140 : i1
      %add3A_147 = arith.addi %rem3A_138, %select_n3A_137 : i32
      %select_n3A_148 = arith.select %and3A_146, %add3A_147, %rem3A_138 : i32
      %mul3A_149 = arith.constant 128 : i32
      %mul3A_150 = arith.muli %select_n3A_148, %mul3A_149 : i32
      %mul3A_151 = arith.constant 128 : i32
      %mul3A_152 = arith.muli %select_n3A_148, %mul3A_151 : i32
      %add3A_153 = arith.addi %mul3A_4, %mul3A_152 : i32
      %dma_start3A_154 = arith.constant 0 : i32
      %dma_start3A_155 = tpu.memref_slice %arg4[%select_n3A_132, %add3A_153, %dma_start3A_154] : memref<50x16384x128xf32, #tpu.memory_space<hbm>> -> memref<1x128x128xf32, #tpu.memory_space<hbm>>
      %dma_start3A_156 = tpu.memref_squeeze %dma_start3A_155 : memref<1x128x128xf32, #tpu.memory_space<hbm>> -> memref<128x128xf32, #tpu.memory_space<hbm>>
      %dma_start3A_157 = arith.constant 0 : i32
      %dma_start3A_158 = tpu.memref_slice %arg4[%select_n3A_132, %add3A_153, %dma_start3A_157] : memref<50x16384x128xf32, #tpu.memory_space<hbm>> -> memref<1x128x128xf32, #tpu.memory_space<hbm>>
      %dma_start3A_159 = tpu.memref_squeeze %dma_start3A_158 : memref<1x128x128xf32, #tpu.memory_space<hbm>> -> memref<128x128xf32, #tpu.memory_space<hbm>>
      tpu.enqueue_dma source(%arg7 : memref<128x128xf32, #tpu.memory_space<vmem>>) target(%dma_start3A_159 : memref<128x128xf32, #tpu.memory_space<hbm>>) target_semaphore(%arg15 : memref<!tpu.dma_semaphore, #tpu.memory_space<semaphore_mem>>)
      %add3A_160 = arith.constant 0 : i32
      %add3A_161 = arith.addi %mul3A_4, %add3A_160 : i32
      %dma_wait3A_162 = arith.constant 0 : i32
      %dma_wait3A_163 = arith.constant 0 : i32
      %dma_wait3A_164 = tpu.memref_slice %arg5[%dma_wait3A_162, %dma_wait3A_163] : memref<50x512xi32, #tpu.memory_space<vmem>> -> memref<1x128xi32, #tpu.memory_space<vmem>>
      %dma_wait3A_165 = tpu.memref_squeeze %dma_wait3A_164 : memref<1x128xi32, #tpu.memory_space<vmem>> -> memref<128xi32, #tpu.memory_space<vmem>>
      %dma_wait3A_166 = arith.constant 0 : i32
      %dma_wait3A_167 = arith.constant 0 : i32
      %dma_wait3A_168 = tpu.memref_slice %arg3[%dma_wait3A_166, %dma_wait3A_167] : memref<1000000x128xf32, #tpu.memory_space<hbm>> -> memref<1000000x128xf32, #tpu.memory_space<hbm>>
      tpu.wait_indirect_dma semaphore(%arg12 : memref<!tpu.dma_semaphore, #tpu.memory_space<semaphore_mem>>) src(%dma_wait3A_168 : memref<1000000x128xf32, #tpu.memory_space<hbm>>) dst(%arg8 : memref<128x128xf32, #tpu.memory_space<vmem>>)
      %add3A_169 = arith.constant 2 : i32
      %add3A_170 = arith.addi %mul3A_46, %add3A_169 : i32
      %jit3A_171 = arith.constant 4 : i32
      %div3A_172 = arith.divsi %add3A_170, %jit3A_171 : i32
      %sign3A_173 = arith.constant 0 : i32
      %sign3A_174 = arith.cmpi sgt, %add3A_170, %sign3A_173 : i32
      %sign3A_175 = arith.extui %sign3A_174 : i1 to i32
      %sign3A_176 = arith.constant 0 : i32
      %sign3A_177 = arith.cmpi slt, %add3A_170, %sign3A_176 : i32
      %sign3A_178 = arith.extui %sign3A_177 : i1 to i32
      %sign3A_179 = arith.subi %sign3A_175, %sign3A_178 : i32
      %sign3A_180 = arith.constant 0 : i32
      %sign3A_181 = arith.cmpi sgt, %jit3A_171, %sign3A_180 : i32
      %sign3A_182 = arith.extui %sign3A_181 : i1 to i32
      %sign3A_183 = arith.constant 0 : i32
      %sign3A_184 = arith.cmpi slt, %jit3A_171, %sign3A_183 : i32
      %sign3A_185 = arith.extui %sign3A_184 : i1 to i32
      %sign3A_186 = arith.subi %sign3A_182, %sign3A_185 : i32
      %ne3A_187 = arith.cmpi ne, %sign3A_179, %sign3A_186 : i32
      %rem3A_188 = arith.remsi %add3A_170, %jit3A_171 : i32
      %ne3A_189 = arith.constant 0 : i32
      %ne3A_190 = arith.cmpi ne, %rem3A_188, %ne3A_189 : i32
      %and3A_191 = arith.andi %ne3A_187, %ne3A_190 : i1
      %sub3A_192 = arith.constant 1 : i32
      %sub3A_193 = arith.subi %div3A_172, %sub3A_192 : i32
      %select_n3A_194 = arith.select %and3A_191, %sub3A_193, %div3A_172 : i32
      %jit3A_195 = arith.constant 4 : i32
      %eq3A_196 = arith.constant 0 : i32
      %eq3A_197 = arith.cmpi eq, %jit3A_195, %eq3A_196 : i32
      %jit3A_198 = arith.constant 1 : i32
      %select_n3A_199 = arith.select %eq3A_197, %jit3A_198, %jit3A_195 : i32
      %rem3A_200 = arith.remsi %add3A_170, %select_n3A_199 : i32
      %ne3A_201 = arith.constant 0 : i32
      %ne3A_202 = arith.cmpi ne, %rem3A_200, %ne3A_201 : i32
      %lt3A_203 = arith.constant 0 : i32
      %lt3A_204 = arith.cmpi slt, %rem3A_200, %lt3A_203 : i32
      %lt3A_205 = arith.constant 0 : i32
      %lt3A_206 = arith.cmpi slt, %select_n3A_199, %lt3A_205 : i32
      %ne3A_207 = arith.xori %lt3A_204, %lt3A_206 : i1
      %and3A_208 = arith.andi %ne3A_207, %ne3A_202 : i1
      %add3A_209 = arith.addi %rem3A_200, %select_n3A_199 : i32
      %select_n3A_210 = arith.select %and3A_208, %add3A_209, %rem3A_200 : i32
      %mul3A_211 = arith.constant 128 : i32
      %mul3A_212 = arith.muli %select_n3A_210, %mul3A_211 : i32
      %mul3A_213 = arith.constant 128 : i32
      %mul3A_214 = arith.muli %select_n3A_210, %mul3A_213 : i32
      %add3A_215 = arith.addi %mul3A_4, %mul3A_214 : i32
      %dma_start3A_216 = arith.constant 0 : i32
      %dma_start3A_217 = tpu.memref_slice %arg4[%select_n3A_194, %add3A_215, %dma_start3A_216] : memref<50x16384x128xf32, #tpu.memory_space<hbm>> -> memref<1x128x128xf32, #tpu.memory_space<hbm>>
      %dma_start3A_218 = tpu.memref_squeeze %dma_start3A_217 : memref<1x128x128xf32, #tpu.memory_space<hbm>> -> memref<128x128xf32, #tpu.memory_space<hbm>>
      %dma_start3A_219 = arith.constant 0 : i32
      %dma_start3A_220 = tpu.memref_slice %arg4[%select_n3A_194, %add3A_215, %dma_start3A_219] : memref<50x16384x128xf32, #tpu.memory_space<hbm>> -> memref<1x128x128xf32, #tpu.memory_space<hbm>>
      %dma_start3A_221 = tpu.memref_squeeze %dma_start3A_220 : memref<1x128x128xf32, #tpu.memory_space<hbm>> -> memref<128x128xf32, #tpu.memory_space<hbm>>
      tpu.enqueue_dma source(%arg8 : memref<128x128xf32, #tpu.memory_space<vmem>>) target(%dma_start3A_221 : memref<128x128xf32, #tpu.memory_space<hbm>>) target_semaphore(%arg16 : memref<!tpu.dma_semaphore, #tpu.memory_space<semaphore_mem>>)
      %add3A_222 = arith.constant 0 : i32
      %add3A_223 = arith.addi %mul3A_4, %add3A_222 : i32
      %dma_wait3A_224 = arith.constant 0 : i32
      %dma_wait3A_225 = arith.constant 0 : i32
      %dma_wait3A_226 = tpu.memref_slice %arg5[%dma_wait3A_224, %dma_wait3A_225] : memref<50x512xi32, #tpu.memory_space<vmem>> -> memref<1x128xi32, #tpu.memory_space<vmem>>
      %dma_wait3A_227 = tpu.memref_squeeze %dma_wait3A_226 : memref<1x128xi32, #tpu.memory_space<vmem>> -> memref<128xi32, #tpu.memory_space<vmem>>
      %dma_wait3A_228 = arith.constant 0 : i32
      %dma_wait3A_229 = arith.constant 0 : i32
      %dma_wait3A_230 = tpu.memref_slice %arg3[%dma_wait3A_228, %dma_wait3A_229] : memref<1000000x128xf32, #tpu.memory_space<hbm>> -> memref<1000000x128xf32, #tpu.memory_space<hbm>>
      tpu.wait_indirect_dma semaphore(%arg13 : memref<!tpu.dma_semaphore, #tpu.memory_space<semaphore_mem>>) src(%dma_wait3A_230 : memref<1000000x128xf32, #tpu.memory_space<hbm>>) dst(%arg9 : memref<128x128xf32, #tpu.memory_space<vmem>>)
      %add3A_231 = arith.constant 3 : i32
      %add3A_232 = arith.addi %mul3A_46, %add3A_231 : i32
      %jit3A_233 = arith.constant 4 : i32
      %div3A_234 = arith.divsi %add3A_232, %jit3A_233 : i32
      %sign3A_235 = arith.constant 0 : i32
      %sign3A_236 = arith.cmpi sgt, %add3A_232, %sign3A_235 : i32
      %sign3A_237 = arith.extui %sign3A_236 : i1 to i32
      %sign3A_238 = arith.constant 0 : i32
      %sign3A_239 = arith.cmpi slt, %add3A_232, %sign3A_238 : i32
      %sign3A_240 = arith.extui %sign3A_239 : i1 to i32
      %sign3A_241 = arith.subi %sign3A_237, %sign3A_240 : i32
      %sign3A_242 = arith.constant 0 : i32
      %sign3A_243 = arith.cmpi sgt, %jit3A_233, %sign3A_242 : i32
      %sign3A_244 = arith.extui %sign3A_243 : i1 to i32
      %sign3A_245 = arith.constant 0 : i32
      %sign3A_246 = arith.cmpi slt, %jit3A_233, %sign3A_245 : i32
      %sign3A_247 = arith.extui %sign3A_246 : i1 to i32
      %sign3A_248 = arith.subi %sign3A_244, %sign3A_247 : i32
      %ne3A_249 = arith.cmpi ne, %sign3A_241, %sign3A_248 : i32
      %rem3A_250 = arith.remsi %add3A_232, %jit3A_233 : i32
      %ne3A_251 = arith.constant 0 : i32
      %ne3A_252 = arith.cmpi ne, %rem3A_250, %ne3A_251 : i32
      %and3A_253 = arith.andi %ne3A_249, %ne3A_252 : i1
      %sub3A_254 = arith.constant 1 : i32
      %sub3A_255 = arith.subi %div3A_234, %sub3A_254 : i32
      %select_n3A_256 = arith.select %and3A_253, %sub3A_255, %div3A_234 : i32
      %jit3A_257 = arith.constant 4 : i32
      %eq3A_258 = arith.constant 0 : i32
      %eq3A_259 = arith.cmpi eq, %jit3A_257, %eq3A_258 : i32
      %jit3A_260 = arith.constant 1 : i32
      %select_n3A_261 = arith.select %eq3A_259, %jit3A_260, %jit3A_257 : i32
      %rem3A_262 = arith.remsi %add3A_232, %select_n3A_261 : i32
      %ne3A_263 = arith.constant 0 : i32
      %ne3A_264 = arith.cmpi ne, %rem3A_262, %ne3A_263 : i32
      %lt3A_265 = arith.constant 0 : i32
      %lt3A_266 = arith.cmpi slt, %rem3A_262, %lt3A_265 : i32
      %lt3A_267 = arith.constant 0 : i32
      %lt3A_268 = arith.cmpi slt, %select_n3A_261, %lt3A_267 : i32
      %ne3A_269 = arith.xori %lt3A_266, %lt3A_268 : i1
      %and3A_270 = arith.andi %ne3A_269, %ne3A_264 : i1
      %add3A_271 = arith.addi %rem3A_262, %select_n3A_261 : i32
      %select_n3A_272 = arith.select %and3A_270, %add3A_271, %rem3A_262 : i32
      %mul3A_273 = arith.constant 128 : i32
      %mul3A_274 = arith.muli %select_n3A_272, %mul3A_273 : i32
      %mul3A_275 = arith.constant 128 : i32
      %mul3A_276 = arith.muli %select_n3A_272, %mul3A_275 : i32
      %add3A_277 = arith.addi %mul3A_4, %mul3A_276 : i32
      %dma_start3A_278 = arith.constant 0 : i32
      %dma_start3A_279 = tpu.memref_slice %arg4[%select_n3A_256, %add3A_277, %dma_start3A_278] : memref<50x16384x128xf32, #tpu.memory_space<hbm>> -> memref<1x128x128xf32, #tpu.memory_space<hbm>>
      %dma_start3A_280 = tpu.memref_squeeze %dma_start3A_279 : memref<1x128x128xf32, #tpu.memory_space<hbm>> -> memref<128x128xf32, #tpu.memory_space<hbm>>
      %dma_start3A_281 = arith.constant 0 : i32
      %dma_start3A_282 = tpu.memref_slice %arg4[%select_n3A_256, %add3A_277, %dma_start3A_281] : memref<50x16384x128xf32, #tpu.memory_space<hbm>> -> memref<1x128x128xf32, #tpu.memory_space<hbm>>
      %dma_start3A_283 = tpu.memref_squeeze %dma_start3A_282 : memref<1x128x128xf32, #tpu.memory_space<hbm>> -> memref<128x128xf32, #tpu.memory_space<hbm>>
      tpu.enqueue_dma source(%arg9 : memref<128x128xf32, #tpu.memory_space<vmem>>) target(%dma_start3A_283 : memref<128x128xf32, #tpu.memory_space<hbm>>) target_semaphore(%arg17 : memref<!tpu.dma_semaphore, #tpu.memory_space<semaphore_mem>>)
      %add3A_284 = arith.constant 0 : i32
      %add3A_285 = arith.addi %mul3A_46, %add3A_284 : i32
      %jit3A_286 = arith.constant 4 : i32
      %div3A_287 = arith.divsi %add3A_285, %jit3A_286 : i32
      %sign3A_288 = arith.constant 0 : i32
      %sign3A_289 = arith.cmpi sgt, %add3A_285, %sign3A_288 : i32
      %sign3A_290 = arith.extui %sign3A_289 : i1 to i32
      %sign3A_291 = arith.constant 0 : i32
      %sign3A_292 = arith.cmpi slt, %add3A_285, %sign3A_291 : i32
      %sign3A_293 = arith.extui %sign3A_292 : i1 to i32
      %sign3A_294 = arith.subi %sign3A_290, %sign3A_293 : i32
      %sign3A_295 = arith.constant 0 : i32
      %sign3A_296 = arith.cmpi sgt, %jit3A_286, %sign3A_295 : i32
      %sign3A_297 = arith.extui %sign3A_296 : i1 to i32
      %sign3A_298 = arith.constant 0 : i32
      %sign3A_299 = arith.cmpi slt, %jit3A_286, %sign3A_298 : i32
      %sign3A_300 = arith.extui %sign3A_299 : i1 to i32
      %sign3A_301 = arith.subi %sign3A_297, %sign3A_300 : i32
      %ne3A_302 = arith.cmpi ne, %sign3A_294, %sign3A_301 : i32
      %rem3A_303 = arith.remsi %add3A_285, %jit3A_286 : i32
      %ne3A_304 = arith.constant 0 : i32
      %ne3A_305 = arith.cmpi ne, %rem3A_303, %ne3A_304 : i32
      %and3A_306 = arith.andi %ne3A_302, %ne3A_305 : i1
      %sub3A_307 = arith.constant 1 : i32
      %sub3A_308 = arith.subi %div3A_287, %sub3A_307 : i32
      %select_n3A_309 = arith.select %and3A_306, %sub3A_308, %div3A_287 : i32
      %jit3A_310 = arith.constant 4 : i32
      %eq3A_311 = arith.constant 0 : i32
      %eq3A_312 = arith.cmpi eq, %jit3A_310, %eq3A_311 : i32
      %jit3A_313 = arith.constant 1 : i32
      %select_n3A_314 = arith.select %eq3A_312, %jit3A_313, %jit3A_310 : i32
      %rem3A_315 = arith.remsi %add3A_285, %select_n3A_314 : i32
      %ne3A_316 = arith.constant 0 : i32
      %ne3A_317 = arith.cmpi ne, %rem3A_315, %ne3A_316 : i32
      %lt3A_318 = arith.constant 0 : i32
      %lt3A_319 = arith.cmpi slt, %rem3A_315, %lt3A_318 : i32
      %lt3A_320 = arith.constant 0 : i32
      %lt3A_321 = arith.cmpi slt, %select_n3A_314, %lt3A_320 : i32
      %ne3A_322 = arith.xori %lt3A_319, %lt3A_321 : i1
      %and3A_323 = arith.andi %ne3A_322, %ne3A_317 : i1
      %add3A_324 = arith.addi %rem3A_315, %select_n3A_314 : i32
      %select_n3A_325 = arith.select %and3A_323, %add3A_324, %rem3A_315 : i32
      %mul3A_326 = arith.constant 128 : i32
      %mul3A_327 = arith.muli %select_n3A_325, %mul3A_326 : i32
      %mul3A_328 = arith.constant 128 : i32
      %mul3A_329 = arith.muli %select_n3A_325, %mul3A_328 : i32
      %add3A_330 = arith.addi %mul3A_4, %mul3A_329 : i32
      %dma_wait3A_331 = arith.constant 0 : i32
      %dma_wait3A_332 = tpu.memref_slice %arg4[%select_n3A_309, %add3A_330, %dma_wait3A_331] : memref<50x16384x128xf32, #tpu.memory_space<hbm>> -> memref<1x128x128xf32, #tpu.memory_space<hbm>>
      %dma_wait3A_333 = tpu.memref_squeeze %dma_wait3A_332 : memref<1x128x128xf32, #tpu.memory_space<hbm>> -> memref<128x128xf32, #tpu.memory_space<hbm>>
      %dma_wait3A_334 = arith.constant 0 : i32
      %dma_wait3A_335 = tpu.memref_slice %arg4[%select_n3A_309, %add3A_330, %dma_wait3A_334] : memref<50x16384x128xf32, #tpu.memory_space<hbm>> -> memref<1x128x128xf32, #tpu.memory_space<hbm>>
      %dma_wait3A_336 = tpu.memref_squeeze %dma_wait3A_335 : memref<1x128x128xf32, #tpu.memory_space<hbm>> -> memref<128x128xf32, #tpu.memory_space<hbm>>
      tpu.wait_dma2 semaphore(%arg14 : memref<!tpu.dma_semaphore, #tpu.memory_space<semaphore_mem>>) src(%arg6 : memref<128x128xf32, #tpu.memory_space<vmem>>) dst(%dma_wait3A_336 : memref<128x128xf32, #tpu.memory_space<hbm>>)
      %add3A_337 = arith.constant 0 : i32
      %add3A_338 = arith.addi %mul3A_46, %add3A_337 : i32
      %add3A_339 = arith.constant 4 : i32
      %add3A_340 = arith.addi %add3A_338, %add3A_339 : i32
      %lt3A_341 = arith.constant 200 : i32
      %lt3A_342 = arith.cmpi slt, %add3A_340, %lt3A_341 : i32
      %convert_element_type3A = arith.extui %lt3A_342 : i1 to i32
      %cond3A = arith.constant 0 : i32
      %cond3A_343 = arith.cmpi ne, %convert_element_type3A, %cond3A : i32
      scf.if %cond3A_343 {
        %add3A_530 = arith.constant 0 : i32
        %add3A_531 = arith.addi %mul3A_46, %add3A_530 : i32
        %add3A_532 = arith.constant 4 : i32
        %add3A_533 = arith.addi %add3A_531, %add3A_532 : i32
        %jit3A_534 = arith.constant 4 : i32
        %div3A_535 = arith.divsi %add3A_533, %jit3A_534 : i32
        %sign3A_536 = arith.constant 0 : i32
        %sign3A_537 = arith.cmpi sgt, %add3A_533, %sign3A_536 : i32
        %sign3A_538 = arith.extui %sign3A_537 : i1 to i32
        %sign3A_539 = arith.constant 0 : i32
        %sign3A_540 = arith.cmpi slt, %add3A_533, %sign3A_539 : i32
        %sign3A_541 = arith.extui %sign3A_540 : i1 to i32
        %sign3A_542 = arith.subi %sign3A_538, %sign3A_541 : i32
        %sign3A_543 = arith.constant 0 : i32
        %sign3A_544 = arith.cmpi sgt, %jit3A_534, %sign3A_543 : i32
        %sign3A_545 = arith.extui %sign3A_544 : i1 to i32
        %sign3A_546 = arith.constant 0 : i32
        %sign3A_547 = arith.cmpi slt, %jit3A_534, %sign3A_546 : i32
        %sign3A_548 = arith.extui %sign3A_547 : i1 to i32
        %sign3A_549 = arith.subi %sign3A_545, %sign3A_548 : i32
        %ne3A_550 = arith.cmpi ne, %sign3A_542, %sign3A_549 : i32
        %rem3A_551 = arith.remsi %add3A_533, %jit3A_534 : i32
        %ne3A_552 = arith.constant 0 : i32
        %ne3A_553 = arith.cmpi ne, %rem3A_551, %ne3A_552 : i32
        %and3A_554 = arith.andi %ne3A_550, %ne3A_553 : i1
        %sub3A_555 = arith.constant 1 : i32
        %sub3A_556 = arith.subi %div3A_535, %sub3A_555 : i32
        %select_n3A_557 = arith.select %and3A_554, %sub3A_556, %div3A_535 : i32
        %jit3A_558 = arith.constant 4 : i32
        %eq3A_559 = arith.constant 0 : i32
        %eq3A_560 = arith.cmpi eq, %jit3A_558, %eq3A_559 : i32
        %jit3A_561 = arith.constant 1 : i32
        %select_n3A_562 = arith.select %eq3A_560, %jit3A_561, %jit3A_558 : i32
        %rem3A_563 = arith.remsi %add3A_533, %select_n3A_562 : i32
        %ne3A_564 = arith.constant 0 : i32
        %ne3A_565 = arith.cmpi ne, %rem3A_563, %ne3A_564 : i32
        %lt3A_566 = arith.constant 0 : i32
        %lt3A_567 = arith.cmpi slt, %rem3A_563, %lt3A_566 : i32
        %lt3A_568 = arith.constant 0 : i32
        %lt3A_569 = arith.cmpi slt, %select_n3A_562, %lt3A_568 : i32
        %ne3A_570 = arith.xori %lt3A_567, %lt3A_569 : i1
        %and3A_571 = arith.andi %ne3A_570, %ne3A_565 : i1
        %add3A_572 = arith.addi %rem3A_563, %select_n3A_562 : i32
        %select_n3A_573 = arith.select %and3A_571, %add3A_572, %rem3A_563 : i32
        %mul3A_574 = arith.constant 128 : i32
        %mul3A_575 = arith.muli %select_n3A_573, %mul3A_574 : i32
        %mul3A_576 = arith.constant 128 : i32
        %mul3A_577 = arith.muli %select_n3A_573, %mul3A_576 : i32
        %add3A_578 = arith.addi %mul3A_4, %mul3A_577 : i32
        %dma_start3A_579 = tpu.memref_slice %arg5[%select_n3A_557, %mul3A_575] : memref<50x512xi32, #tpu.memory_space<vmem>> -> memref<1x128xi32, #tpu.memory_space<vmem>>
        %dma_start3A_580 = tpu.memref_squeeze %dma_start3A_579 : memref<1x128xi32, #tpu.memory_space<vmem>> -> memref<128xi32, #tpu.memory_space<vmem>>
        %dma_start3A_581 = arith.constant 0 : i32
        %dma_start3A_582 = arith.constant 0 : i32
        %dma_start3A_583 = tpu.memref_slice %arg3[%dma_start3A_581, %dma_start3A_582] : memref<1000000x128xf32, #tpu.memory_space<hbm>> -> memref<1000000x128xf32, #tpu.memory_space<hbm>>
        tpu.enqueue_indirect_dma source(%dma_start3A_583 : memref<1000000x128xf32, #tpu.memory_space<hbm>>) target(%arg6 : memref<128x128xf32, #tpu.memory_space<vmem>>) offsets(%dma_start3A_580 : memref<128xi32, #tpu.memory_space<vmem>>) semaphore(%arg10 : memref<!tpu.dma_semaphore, #tpu.memory_space<semaphore_mem>>)
      } else {
      }
      %add3A_344 = arith.constant 1 : i32
      %add3A_345 = arith.addi %mul3A_46, %add3A_344 : i32
      %jit3A_346 = arith.constant 4 : i32
      %div3A_347 = arith.divsi %add3A_345, %jit3A_346 : i32
      %sign3A_348 = arith.constant 0 : i32
      %sign3A_349 = arith.cmpi sgt, %add3A_345, %sign3A_348 : i32
      %sign3A_350 = arith.extui %sign3A_349 : i1 to i32
      %sign3A_351 = arith.constant 0 : i32
      %sign3A_352 = arith.cmpi slt, %add3A_345, %sign3A_351 : i32
      %sign3A_353 = arith.extui %sign3A_352 : i1 to i32
      %sign3A_354 = arith.subi %sign3A_350, %sign3A_353 : i32
      %sign3A_355 = arith.constant 0 : i32
      %sign3A_356 = arith.cmpi sgt, %jit3A_346, %sign3A_355 : i32
      %sign3A_357 = arith.extui %sign3A_356 : i1 to i32
      %sign3A_358 = arith.constant 0 : i32
      %sign3A_359 = arith.cmpi slt, %jit3A_346, %sign3A_358 : i32
      %sign3A_360 = arith.extui %sign3A_359 : i1 to i32
      %sign3A_361 = arith.subi %sign3A_357, %sign3A_360 : i32
      %ne3A_362 = arith.cmpi ne, %sign3A_354, %sign3A_361 : i32
      %rem3A_363 = arith.remsi %add3A_345, %jit3A_346 : i32
      %ne3A_364 = arith.constant 0 : i32
      %ne3A_365 = arith.cmpi ne, %rem3A_363, %ne3A_364 : i32
      %and3A_366 = arith.andi %ne3A_362, %ne3A_365 : i1
      %sub3A_367 = arith.constant 1 : i32
      %sub3A_368 = arith.subi %div3A_347, %sub3A_367 : i32
      %select_n3A_369 = arith.select %and3A_366, %sub3A_368, %div3A_347 : i32
      %jit3A_370 = arith.constant 4 : i32
      %eq3A_371 = arith.constant 0 : i32
      %eq3A_372 = arith.cmpi eq, %jit3A_370, %eq3A_371 : i32
      %jit3A_373 = arith.constant 1 : i32
      %select_n3A_374 = arith.select %eq3A_372, %jit3A_373, %jit3A_370 : i32
      %rem3A_375 = arith.remsi %add3A_345, %select_n3A_374 : i32
      %ne3A_376 = arith.constant 0 : i32
      %ne3A_377 = arith.cmpi ne, %rem3A_375, %ne3A_376 : i32
      %lt3A_378 = arith.constant 0 : i32
      %lt3A_379 = arith.cmpi slt, %rem3A_375, %lt3A_378 : i32
      %lt3A_380 = arith.constant 0 : i32
      %lt3A_381 = arith.cmpi slt, %select_n3A_374, %lt3A_380 : i32
      %ne3A_382 = arith.xori %lt3A_379, %lt3A_381 : i1
      %and3A_383 = arith.andi %ne3A_382, %ne3A_377 : i1
      %add3A_384 = arith.addi %rem3A_375, %select_n3A_374 : i32
      %select_n3A_385 = arith.select %and3A_383, %add3A_384, %rem3A_375 : i32
      %mul3A_386 = arith.constant 128 : i32
      %mul3A_387 = arith.muli %select_n3A_385, %mul3A_386 : i32
      %mul3A_388 = arith.constant 128 : i32
      %mul3A_389 = arith.muli %select_n3A_385, %mul3A_388 : i32
      %add3A_390 = arith.addi %mul3A_4, %mul3A_389 : i32
      %dma_wait3A_391 = arith.constant 0 : i32
      %dma_wait3A_392 = tpu.memref_slice %arg4[%select_n3A_369, %add3A_390, %dma_wait3A_391] : memref<50x16384x128xf32, #tpu.memory_space<hbm>> -> memref<1x128x128xf32, #tpu.memory_space<hbm>>
      %dma_wait3A_393 = tpu.memref_squeeze %dma_wait3A_392 : memref<1x128x128xf32, #tpu.memory_space<hbm>> -> memref<128x128xf32, #tpu.memory_space<hbm>>
      %dma_wait3A_394 = arith.constant 0 : i32
      %dma_wait3A_395 = tpu.memref_slice %arg4[%select_n3A_369, %add3A_390, %dma_wait3A_394] : memref<50x16384x128xf32, #tpu.memory_space<hbm>> -> memref<1x128x128xf32, #tpu.memory_space<hbm>>
      %dma_wait3A_396 = tpu.memref_squeeze %dma_wait3A_395 : memref<1x128x128xf32, #tpu.memory_space<hbm>> -> memref<128x128xf32, #tpu.memory_space<hbm>>
      tpu.wait_dma2 semaphore(%arg15 : memref<!tpu.dma_semaphore, #tpu.memory_space<semaphore_mem>>) src(%arg7 : memref<128x128xf32, #tpu.memory_space<vmem>>) dst(%dma_wait3A_396 : memref<128x128xf32, #tpu.memory_space<hbm>>)
      %add3A_397 = arith.constant 1 : i32
      %add3A_398 = arith.addi %mul3A_46, %add3A_397 : i32
      %add3A_399 = arith.constant 4 : i32
      %add3A_400 = arith.addi %add3A_398, %add3A_399 : i32
      %lt3A_401 = arith.constant 200 : i32
      %lt3A_402 = arith.cmpi slt, %add3A_400, %lt3A_401 : i32
      %convert_element_type3A_403 = arith.extui %lt3A_402 : i1 to i32
      %cond3A_404 = arith.constant 0 : i32
      %cond3A_405 = arith.cmpi ne, %convert_element_type3A_403, %cond3A_404 : i32
      scf.if %cond3A_405 {
        %add3A_530 = arith.constant 1 : i32
        %add3A_531 = arith.addi %mul3A_46, %add3A_530 : i32
        %add3A_532 = arith.constant 4 : i32
        %add3A_533 = arith.addi %add3A_531, %add3A_532 : i32
        %jit3A_534 = arith.constant 4 : i32
        %div3A_535 = arith.divsi %add3A_533, %jit3A_534 : i32
        %sign3A_536 = arith.constant 0 : i32
        %sign3A_537 = arith.cmpi sgt, %add3A_533, %sign3A_536 : i32
        %sign3A_538 = arith.extui %sign3A_537 : i1 to i32
        %sign3A_539 = arith.constant 0 : i32
        %sign3A_540 = arith.cmpi slt, %add3A_533, %sign3A_539 : i32
        %sign3A_541 = arith.extui %sign3A_540 : i1 to i32
        %sign3A_542 = arith.subi %sign3A_538, %sign3A_541 : i32
        %sign3A_543 = arith.constant 0 : i32
        %sign3A_544 = arith.cmpi sgt, %jit3A_534, %sign3A_543 : i32
        %sign3A_545 = arith.extui %sign3A_544 : i1 to i32
        %sign3A_546 = arith.constant 0 : i32
        %sign3A_547 = arith.cmpi slt, %jit3A_534, %sign3A_546 : i32
        %sign3A_548 = arith.extui %sign3A_547 : i1 to i32
        %sign3A_549 = arith.subi %sign3A_545, %sign3A_548 : i32
        %ne3A_550 = arith.cmpi ne, %sign3A_542, %sign3A_549 : i32
        %rem3A_551 = arith.remsi %add3A_533, %jit3A_534 : i32
        %ne3A_552 = arith.constant 0 : i32
        %ne3A_553 = arith.cmpi ne, %rem3A_551, %ne3A_552 : i32
        %and3A_554 = arith.andi %ne3A_550, %ne3A_553 : i1
        %sub3A_555 = arith.constant 1 : i32
        %sub3A_556 = arith.subi %div3A_535, %sub3A_555 : i32
        %select_n3A_557 = arith.select %and3A_554, %sub3A_556, %div3A_535 : i32
        %jit3A_558 = arith.constant 4 : i32
        %eq3A_559 = arith.constant 0 : i32
        %eq3A_560 = arith.cmpi eq, %jit3A_558, %eq3A_559 : i32
        %jit3A_561 = arith.constant 1 : i32
        %select_n3A_562 = arith.select %eq3A_560, %jit3A_561, %jit3A_558 : i32
        %rem3A_563 = arith.remsi %add3A_533, %select_n3A_562 : i32
        %ne3A_564 = arith.constant 0 : i32
        %ne3A_565 = arith.cmpi ne, %rem3A_563, %ne3A_564 : i32
        %lt3A_566 = arith.constant 0 : i32
        %lt3A_567 = arith.cmpi slt, %rem3A_563, %lt3A_566 : i32
        %lt3A_568 = arith.constant 0 : i32
        %lt3A_569 = arith.cmpi slt, %select_n3A_562, %lt3A_568 : i32
        %ne3A_570 = arith.xori %lt3A_567, %lt3A_569 : i1
        %and3A_571 = arith.andi %ne3A_570, %ne3A_565 : i1
        %add3A_572 = arith.addi %rem3A_563, %select_n3A_562 : i32
        %select_n3A_573 = arith.select %and3A_571, %add3A_572, %rem3A_563 : i32
        %mul3A_574 = arith.constant 128 : i32
        %mul3A_575 = arith.muli %select_n3A_573, %mul3A_574 : i32
        %mul3A_576 = arith.constant 128 : i32
        %mul3A_577 = arith.muli %select_n3A_573, %mul3A_576 : i32
        %add3A_578 = arith.addi %mul3A_4, %mul3A_577 : i32
        %dma_start3A_579 = tpu.memref_slice %arg5[%select_n3A_557, %mul3A_575] : memref<50x512xi32, #tpu.memory_space<vmem>> -> memref<1x128xi32, #tpu.memory_space<vmem>>
        %dma_start3A_580 = tpu.memref_squeeze %dma_start3A_579 : memref<1x128xi32, #tpu.memory_space<vmem>> -> memref<128xi32, #tpu.memory_space<vmem>>
        %dma_start3A_581 = arith.constant 0 : i32
        %dma_start3A_582 = arith.constant 0 : i32
        %dma_start3A_583 = tpu.memref_slice %arg3[%dma_start3A_581, %dma_start3A_582] : memref<1000000x128xf32, #tpu.memory_space<hbm>> -> memref<1000000x128xf32, #tpu.memory_space<hbm>>
        tpu.enqueue_indirect_dma source(%dma_start3A_583 : memref<1000000x128xf32, #tpu.memory_space<hbm>>) target(%arg7 : memref<128x128xf32, #tpu.memory_space<vmem>>) offsets(%dma_start3A_580 : memref<128xi32, #tpu.memory_space<vmem>>) semaphore(%arg11 : memref<!tpu.dma_semaphore, #tpu.memory_space<semaphore_mem>>)
      } else {
      }
      %add3A_406 = arith.constant 2 : i32
      %add3A_407 = arith.addi %mul3A_46, %add3A_406 : i32
      %jit3A_408 = arith.constant 4 : i32
      %div3A_409 = arith.divsi %add3A_407, %jit3A_408 : i32
      %sign3A_410 = arith.constant 0 : i32
      %sign3A_411 = arith.cmpi sgt, %add3A_407, %sign3A_410 : i32
      %sign3A_412 = arith.extui %sign3A_411 : i1 to i32
      %sign3A_413 = arith.constant 0 : i32
      %sign3A_414 = arith.cmpi slt, %add3A_407, %sign3A_413 : i32
      %sign3A_415 = arith.extui %sign3A_414 : i1 to i32
      %sign3A_416 = arith.subi %sign3A_412, %sign3A_415 : i32
      %sign3A_417 = arith.constant 0 : i32
      %sign3A_418 = arith.cmpi sgt, %jit3A_408, %sign3A_417 : i32
      %sign3A_419 = arith.extui %sign3A_418 : i1 to i32
      %sign3A_420 = arith.constant 0 : i32
      %sign3A_421 = arith.cmpi slt, %jit3A_408, %sign3A_420 : i32
      %sign3A_422 = arith.extui %sign3A_421 : i1 to i32
      %sign3A_423 = arith.subi %sign3A_419, %sign3A_422 : i32
      %ne3A_424 = arith.cmpi ne, %sign3A_416, %sign3A_423 : i32
      %rem3A_425 = arith.remsi %add3A_407, %jit3A_408 : i32
      %ne3A_426 = arith.constant 0 : i32
      %ne3A_427 = arith.cmpi ne, %rem3A_425, %ne3A_426 : i32
      %and3A_428 = arith.andi %ne3A_424, %ne3A_427 : i1
      %sub3A_429 = arith.constant 1 : i32
      %sub3A_430 = arith.subi %div3A_409, %sub3A_429 : i32
      %select_n3A_431 = arith.select %and3A_428, %sub3A_430, %div3A_409 : i32
      %jit3A_432 = arith.constant 4 : i32
      %eq3A_433 = arith.constant 0 : i32
      %eq3A_434 = arith.cmpi eq, %jit3A_432, %eq3A_433 : i32
      %jit3A_435 = arith.constant 1 : i32
      %select_n3A_436 = arith.select %eq3A_434, %jit3A_435, %jit3A_432 : i32
      %rem3A_437 = arith.remsi %add3A_407, %select_n3A_436 : i32
      %ne3A_438 = arith.constant 0 : i32
      %ne3A_439 = arith.cmpi ne, %rem3A_437, %ne3A_438 : i32
      %lt3A_440 = arith.constant 0 : i32
      %lt3A_441 = arith.cmpi slt, %rem3A_437, %lt3A_440 : i32
      %lt3A_442 = arith.constant 0 : i32
      %lt3A_443 = arith.cmpi slt, %select_n3A_436, %lt3A_442 : i32
      %ne3A_444 = arith.xori %lt3A_441, %lt3A_443 : i1
      %and3A_445 = arith.andi %ne3A_444, %ne3A_439 : i1
      %add3A_446 = arith.addi %rem3A_437, %select_n3A_436 : i32
      %select_n3A_447 = arith.select %and3A_445, %add3A_446, %rem3A_437 : i32
      %mul3A_448 = arith.constant 128 : i32
      %mul3A_449 = arith.muli %select_n3A_447, %mul3A_448 : i32
      %mul3A_450 = arith.constant 128 : i32
      %mul3A_451 = arith.muli %select_n3A_447, %mul3A_450 : i32
      %add3A_452 = arith.addi %mul3A_4, %mul3A_451 : i32
      %dma_wait3A_453 = arith.constant 0 : i32
      %dma_wait3A_454 = tpu.memref_slice %arg4[%select_n3A_431, %add3A_452, %dma_wait3A_453] : memref<50x16384x128xf32, #tpu.memory_space<hbm>> -> memref<1x128x128xf32, #tpu.memory_space<hbm>>
      %dma_wait3A_455 = tpu.memref_squeeze %dma_wait3A_454 : memref<1x128x128xf32, #tpu.memory_space<hbm>> -> memref<128x128xf32, #tpu.memory_space<hbm>>
      %dma_wait3A_456 = arith.constant 0 : i32
      %dma_wait3A_457 = tpu.memref_slice %arg4[%select_n3A_431, %add3A_452, %dma_wait3A_456] : memref<50x16384x128xf32, #tpu.memory_space<hbm>> -> memref<1x128x128xf32, #tpu.memory_space<hbm>>
      %dma_wait3A_458 = tpu.memref_squeeze %dma_wait3A_457 : memref<1x128x128xf32, #tpu.memory_space<hbm>> -> memref<128x128xf32, #tpu.memory_space<hbm>>
      tpu.wait_dma2 semaphore(%arg16 : memref<!tpu.dma_semaphore, #tpu.memory_space<semaphore_mem>>) src(%arg8 : memref<128x128xf32, #tpu.memory_space<vmem>>) dst(%dma_wait3A_458 : memref<128x128xf32, #tpu.memory_space<hbm>>)
      %add3A_459 = arith.constant 2 : i32
      %add3A_460 = arith.addi %mul3A_46, %add3A_459 : i32
      %add3A_461 = arith.constant 4 : i32
      %add3A_462 = arith.addi %add3A_460, %add3A_461 : i32
      %lt3A_463 = arith.constant 200 : i32
      %lt3A_464 = arith.cmpi slt, %add3A_462, %lt3A_463 : i32
      %convert_element_type3A_465 = arith.extui %lt3A_464 : i1 to i32
      %cond3A_466 = arith.constant 0 : i32
      %cond3A_467 = arith.cmpi ne, %convert_element_type3A_465, %cond3A_466 : i32
      scf.if %cond3A_467 {
        %add3A_530 = arith.constant 2 : i32
        %add3A_531 = arith.addi %mul3A_46, %add3A_530 : i32
        %add3A_532 = arith.constant 4 : i32
        %add3A_533 = arith.addi %add3A_531, %add3A_532 : i32
        %jit3A_534 = arith.constant 4 : i32
        %div3A_535 = arith.divsi %add3A_533, %jit3A_534 : i32
        %sign3A_536 = arith.constant 0 : i32
        %sign3A_537 = arith.cmpi sgt, %add3A_533, %sign3A_536 : i32
        %sign3A_538 = arith.extui %sign3A_537 : i1 to i32
        %sign3A_539 = arith.constant 0 : i32
        %sign3A_540 = arith.cmpi slt, %add3A_533, %sign3A_539 : i32
        %sign3A_541 = arith.extui %sign3A_540 : i1 to i32
        %sign3A_542 = arith.subi %sign3A_538, %sign3A_541 : i32
        %sign3A_543 = arith.constant 0 : i32
        %sign3A_544 = arith.cmpi sgt, %jit3A_534, %sign3A_543 : i32
        %sign3A_545 = arith.extui %sign3A_544 : i1 to i32
        %sign3A_546 = arith.constant 0 : i32
        %sign3A_547 = arith.cmpi slt, %jit3A_534, %sign3A_546 : i32
        %sign3A_548 = arith.extui %sign3A_547 : i1 to i32
        %sign3A_549 = arith.subi %sign3A_545, %sign3A_548 : i32
        %ne3A_550 = arith.cmpi ne, %sign3A_542, %sign3A_549 : i32
        %rem3A_551 = arith.remsi %add3A_533, %jit3A_534 : i32
        %ne3A_552 = arith.constant 0 : i32
        %ne3A_553 = arith.cmpi ne, %rem3A_551, %ne3A_552 : i32
        %and3A_554 = arith.andi %ne3A_550, %ne3A_553 : i1
        %sub3A_555 = arith.constant 1 : i32
        %sub3A_556 = arith.subi %div3A_535, %sub3A_555 : i32
        %select_n3A_557 = arith.select %and3A_554, %sub3A_556, %div3A_535 : i32
        %jit3A_558 = arith.constant 4 : i32
        %eq3A_559 = arith.constant 0 : i32
        %eq3A_560 = arith.cmpi eq, %jit3A_558, %eq3A_559 : i32
        %jit3A_561 = arith.constant 1 : i32
        %select_n3A_562 = arith.select %eq3A_560, %jit3A_561, %jit3A_558 : i32
        %rem3A_563 = arith.remsi %add3A_533, %select_n3A_562 : i32
        %ne3A_564 = arith.constant 0 : i32
        %ne3A_565 = arith.cmpi ne, %rem3A_563, %ne3A_564 : i32
        %lt3A_566 = arith.constant 0 : i32
        %lt3A_567 = arith.cmpi slt, %rem3A_563, %lt3A_566 : i32
        %lt3A_568 = arith.constant 0 : i32
        %lt3A_569 = arith.cmpi slt, %select_n3A_562, %lt3A_568 : i32
        %ne3A_570 = arith.xori %lt3A_567, %lt3A_569 : i1
        %and3A_571 = arith.andi %ne3A_570, %ne3A_565 : i1
        %add3A_572 = arith.addi %rem3A_563, %select_n3A_562 : i32
        %select_n3A_573 = arith.select %and3A_571, %add3A_572, %rem3A_563 : i32
        %mul3A_574 = arith.constant 128 : i32
        %mul3A_575 = arith.muli %select_n3A_573, %mul3A_574 : i32
        %mul3A_576 = arith.constant 128 : i32
        %mul3A_577 = arith.muli %select_n3A_573, %mul3A_576 : i32
        %add3A_578 = arith.addi %mul3A_4, %mul3A_577 : i32
        %dma_start3A_579 = tpu.memref_slice %arg5[%select_n3A_557, %mul3A_575] : memref<50x512xi32, #tpu.memory_space<vmem>> -> memref<1x128xi32, #tpu.memory_space<vmem>>
        %dma_start3A_580 = tpu.memref_squeeze %dma_start3A_579 : memref<1x128xi32, #tpu.memory_space<vmem>> -> memref<128xi32, #tpu.memory_space<vmem>>
        %dma_start3A_581 = arith.constant 0 : i32
        %dma_start3A_582 = arith.constant 0 : i32
        %dma_start3A_583 = tpu.memref_slice %arg3[%dma_start3A_581, %dma_start3A_582] : memref<1000000x128xf32, #tpu.memory_space<hbm>> -> memref<1000000x128xf32, #tpu.memory_space<hbm>>
        tpu.enqueue_indirect_dma source(%dma_start3A_583 : memref<1000000x128xf32, #tpu.memory_space<hbm>>) target(%arg8 : memref<128x128xf32, #tpu.memory_space<vmem>>) offsets(%dma_start3A_580 : memref<128xi32, #tpu.memory_space<vmem>>) semaphore(%arg12 : memref<!tpu.dma_semaphore, #tpu.memory_space<semaphore_mem>>)
      } else {
      }
      %add3A_468 = arith.constant 3 : i32
      %add3A_469 = arith.addi %mul3A_46, %add3A_468 : i32
      %jit3A_470 = arith.constant 4 : i32
      %div3A_471 = arith.divsi %add3A_469, %jit3A_470 : i32
      %sign3A_472 = arith.constant 0 : i32
      %sign3A_473 = arith.cmpi sgt, %add3A_469, %sign3A_472 : i32
      %sign3A_474 = arith.extui %sign3A_473 : i1 to i32
      %sign3A_475 = arith.constant 0 : i32
      %sign3A_476 = arith.cmpi slt, %add3A_469, %sign3A_475 : i32
      %sign3A_477 = arith.extui %sign3A_476 : i1 to i32
      %sign3A_478 = arith.subi %sign3A_474, %sign3A_477 : i32
      %sign3A_479 = arith.constant 0 : i32
      %sign3A_480 = arith.cmpi sgt, %jit3A_470, %sign3A_479 : i32
      %sign3A_481 = arith.extui %sign3A_480 : i1 to i32
      %sign3A_482 = arith.constant 0 : i32
      %sign3A_483 = arith.cmpi slt, %jit3A_470, %sign3A_482 : i32
      %sign3A_484 = arith.extui %sign3A_483 : i1 to i32
      %sign3A_485 = arith.subi %sign3A_481, %sign3A_484 : i32
      %ne3A_486 = arith.cmpi ne, %sign3A_478, %sign3A_485 : i32
      %rem3A_487 = arith.remsi %add3A_469, %jit3A_470 : i32
      %ne3A_488 = arith.constant 0 : i32
      %ne3A_489 = arith.cmpi ne, %rem3A_487, %ne3A_488 : i32
      %and3A_490 = arith.andi %ne3A_486, %ne3A_489 : i1
      %sub3A_491 = arith.constant 1 : i32
      %sub3A_492 = arith.subi %div3A_471, %sub3A_491 : i32
      %select_n3A_493 = arith.select %and3A_490, %sub3A_492, %div3A_471 : i32
      %jit3A_494 = arith.constant 4 : i32
      %eq3A_495 = arith.constant 0 : i32
      %eq3A_496 = arith.cmpi eq, %jit3A_494, %eq3A_495 : i32
      %jit3A_497 = arith.constant 1 : i32
      %select_n3A_498 = arith.select %eq3A_496, %jit3A_497, %jit3A_494 : i32
      %rem3A_499 = arith.remsi %add3A_469, %select_n3A_498 : i32
      %ne3A_500 = arith.constant 0 : i32
      %ne3A_501 = arith.cmpi ne, %rem3A_499, %ne3A_500 : i32
      %lt3A_502 = arith.constant 0 : i32
      %lt3A_503 = arith.cmpi slt, %rem3A_499, %lt3A_502 : i32
      %lt3A_504 = arith.constant 0 : i32
      %lt3A_505 = arith.cmpi slt, %select_n3A_498, %lt3A_504 : i32
      %ne3A_506 = arith.xori %lt3A_503, %lt3A_505 : i1
      %and3A_507 = arith.andi %ne3A_506, %ne3A_501 : i1
      %add3A_508 = arith.addi %rem3A_499, %select_n3A_498 : i32
      %select_n3A_509 = arith.select %and3A_507, %add3A_508, %rem3A_499 : i32
      %mul3A_510 = arith.constant 128 : i32
      %mul3A_511 = arith.muli %select_n3A_509, %mul3A_510 : i32
      %mul3A_512 = arith.constant 128 : i32
      %mul3A_513 = arith.muli %select_n3A_509, %mul3A_512 : i32
      %add3A_514 = arith.addi %mul3A_4, %mul3A_513 : i32
      %dma_wait3A_515 = arith.constant 0 : i32
      %dma_wait3A_516 = tpu.memref_slice %arg4[%select_n3A_493, %add3A_514, %dma_wait3A_515] : memref<50x16384x128xf32, #tpu.memory_space<hbm>> -> memref<1x128x128xf32, #tpu.memory_space<hbm>>
      %dma_wait3A_517 = tpu.memref_squeeze %dma_wait3A_516 : memref<1x128x128xf32, #tpu.memory_space<hbm>> -> memref<128x128xf32, #tpu.memory_space<hbm>>
      %dma_wait3A_518 = arith.constant 0 : i32
      %dma_wait3A_519 = tpu.memref_slice %arg4[%select_n3A_493, %add3A_514, %dma_wait3A_518] : memref<50x16384x128xf32, #tpu.memory_space<hbm>> -> memref<1x128x128xf32, #tpu.memory_space<hbm>>
      %dma_wait3A_520 = tpu.memref_squeeze %dma_wait3A_519 : memref<1x128x128xf32, #tpu.memory_space<hbm>> -> memref<128x128xf32, #tpu.memory_space<hbm>>
      tpu.wait_dma2 semaphore(%arg17 : memref<!tpu.dma_semaphore, #tpu.memory_space<semaphore_mem>>) src(%arg9 : memref<128x128xf32, #tpu.memory_space<vmem>>) dst(%dma_wait3A_520 : memref<128x128xf32, #tpu.memory_space<hbm>>)
      %add3A_521 = arith.constant 3 : i32
      %add3A_522 = arith.addi %mul3A_46, %add3A_521 : i32
      %add3A_523 = arith.constant 4 : i32
      %add3A_524 = arith.addi %add3A_522, %add3A_523 : i32
      %lt3A_525 = arith.constant 200 : i32
      %lt3A_526 = arith.cmpi slt, %add3A_524, %lt3A_525 : i32
      %convert_element_type3A_527 = arith.extui %lt3A_526 : i1 to i32
      %cond3A_528 = arith.constant 0 : i32
      %cond3A_529 = arith.cmpi ne, %convert_element_type3A_527, %cond3A_528 : i32
      scf.if %cond3A_529 {
        %add3A_530 = arith.constant 3 : i32
        %add3A_531 = arith.addi %mul3A_46, %add3A_530 : i32
        %add3A_532 = arith.constant 4 : i32
        %add3A_533 = arith.addi %add3A_531, %add3A_532 : i32
        %jit3A_534 = arith.constant 4 : i32
        %div3A_535 = arith.divsi %add3A_533, %jit3A_534 : i32
        %sign3A_536 = arith.constant 0 : i32
        %sign3A_537 = arith.cmpi sgt, %add3A_533, %sign3A_536 : i32
        %sign3A_538 = arith.extui %sign3A_537 : i1 to i32
        %sign3A_539 = arith.constant 0 : i32
        %sign3A_540 = arith.cmpi slt, %add3A_533, %sign3A_539 : i32
        %sign3A_541 = arith.extui %sign3A_540 : i1 to i32
        %sign3A_542 = arith.subi %sign3A_538, %sign3A_541 : i32
        %sign3A_543 = arith.constant 0 : i32
        %sign3A_544 = arith.cmpi sgt, %jit3A_534, %sign3A_543 : i32
        %sign3A_545 = arith.extui %sign3A_544 : i1 to i32
        %sign3A_546 = arith.constant 0 : i32
        %sign3A_547 = arith.cmpi slt, %jit3A_534, %sign3A_546 : i32
        %sign3A_548 = arith.extui %sign3A_547 : i1 to i32
        %sign3A_549 = arith.subi %sign3A_545, %sign3A_548 : i32
        %ne3A_550 = arith.cmpi ne, %sign3A_542, %sign3A_549 : i32
        %rem3A_551 = arith.remsi %add3A_533, %jit3A_534 : i32
        %ne3A_552 = arith.constant 0 : i32
        %ne3A_553 = arith.cmpi ne, %rem3A_551, %ne3A_552 : i32
        %and3A_554 = arith.andi %ne3A_550, %ne3A_553 : i1
        %sub3A_555 = arith.constant 1 : i32
        %sub3A_556 = arith.subi %div3A_535, %sub3A_555 : i32
        %select_n3A_557 = arith.select %and3A_554, %sub3A_556, %div3A_535 : i32
        %jit3A_558 = arith.constant 4 : i32
        %eq3A_559 = arith.constant 0 : i32
        %eq3A_560 = arith.cmpi eq, %jit3A_558, %eq3A_559 : i32
        %jit3A_561 = arith.constant 1 : i32
        %select_n3A_562 = arith.select %eq3A_560, %jit3A_561, %jit3A_558 : i32
        %rem3A_563 = arith.remsi %add3A_533, %select_n3A_562 : i32
        %ne3A_564 = arith.constant 0 : i32
        %ne3A_565 = arith.cmpi ne, %rem3A_563, %ne3A_564 : i32
        %lt3A_566 = arith.constant 0 : i32
        %lt3A_567 = arith.cmpi slt, %rem3A_563, %lt3A_566 : i32
        %lt3A_568 = arith.constant 0 : i32
        %lt3A_569 = arith.cmpi slt, %select_n3A_562, %lt3A_568 : i32
        %ne3A_570 = arith.xori %lt3A_567, %lt3A_569 : i1
        %and3A_571 = arith.andi %ne3A_570, %ne3A_565 : i1
        %add3A_572 = arith.addi %rem3A_563, %select_n3A_562 : i32
        %select_n3A_573 = arith.select %and3A_571, %add3A_572, %rem3A_563 : i32
        %mul3A_574 = arith.constant 128 : i32
        %mul3A_575 = arith.muli %select_n3A_573, %mul3A_574 : i32
        %mul3A_576 = arith.constant 128 : i32
        %mul3A_577 = arith.muli %select_n3A_573, %mul3A_576 : i32
        %add3A_578 = arith.addi %mul3A_4, %mul3A_577 : i32
        %dma_start3A_579 = tpu.memref_slice %arg5[%select_n3A_557, %mul3A_575] : memref<50x512xi32, #tpu.memory_space<vmem>> -> memref<1x128xi32, #tpu.memory_space<vmem>>
        %dma_start3A_580 = tpu.memref_squeeze %dma_start3A_579 : memref<1x128xi32, #tpu.memory_space<vmem>> -> memref<128xi32, #tpu.memory_space<vmem>>
        %dma_start3A_581 = arith.constant 0 : i32
        %dma_start3A_582 = arith.constant 0 : i32
        %dma_start3A_583 = tpu.memref_slice %arg3[%dma_start3A_581, %dma_start3A_582] : memref<1000000x128xf32, #tpu.memory_space<hbm>> -> memref<1000000x128xf32, #tpu.memory_space<hbm>>
        tpu.enqueue_indirect_dma source(%dma_start3A_583 : memref<1000000x128xf32, #tpu.memory_space<hbm>>) target(%arg9 : memref<128x128xf32, #tpu.memory_space<vmem>>) offsets(%dma_start3A_580 : memref<128xi32, #tpu.memory_space<vmem>>) semaphore(%arg13 : memref<!tpu.dma_semaphore, #tpu.memory_space<semaphore_mem>>)
      } else {
      }
    }
    %scan3A_43 = arith.constant 50 : i32
    return
  }
}

module attributes {stable_mosaic.version = 14 : i64} {
  func.func @_project_body(%arg0: i32, %arg1: memref<64x16384xf32, #tpu.memory_space<vmem>>, %arg2: memref<64x128xf32, #tpu.memory_space<vmem>>, %arg3: memref<1x128xf32, #tpu.memory_space<vmem>>, %arg4: memref<16384x128xf32, #tpu.memory_space<vmem>>) attributes {dimension_semantics = [#tpu.dimension_semantics<arbitrary>], iteration_bounds = array<i64: 62>, scalar_prefetch = 0 : i64, scratch_operands = 0 : i64, tpu.core_type = #tpu.core_type<tc>, window_params = [{transform_indices = @transform_0, window_bounds = array<i64: 64, 16384>}, {pipeline_mode = #tpu.pipeline_mode<synchronous>, transform_indices = @transform_1, window_bounds = array<i64: 64, 128>}, {pipeline_mode = #tpu.pipeline_mode<synchronous>, transform_indices = @transform_2, window_bounds = array<i64: 1, 128>}, {transform_indices = @transform_3, window_bounds = array<i64: 16384, 128>}]} {
    %get3A = arith.constant 0 : index
    %get3A_0 = arith.constant 0 : index
    %get3A_1 = vector.load %arg1[%get3A, %get3A_0] : memref<64x16384xf32, #tpu.memory_space<vmem>>, vector<64x16384xf32>
    %get3A_2 = arith.constant 0 : index
    %get3A_3 = arith.constant 0 : index
    %get3A_4 = vector.load %arg2[%get3A_2, %get3A_3] : memref<64x128xf32, #tpu.memory_space<vmem>>, vector<64x128xf32>
    %dot_general3A = arith.constant dense<0.000000e+00> : vector<16384x128xf32>
    %dot_general3A_5 = tpu.matmul %get3A_1, %get3A_4, %dot_general3A {dimension_numbers = #tpu.dot_dimension_numbers<[0], [0], [1], [1], [0, 1, 1, 1], [], []>, transpose_lhs_hint = false} : vector<64x16384xf32>, vector<64x128xf32>, vector<16384x128xf32> -> vector<16384x128xf32>
    %get3A_6 = arith.constant 0 : index
    %get3A_7 = arith.constant 0 : index
    %get3A_8 = vector.load %arg3[%get3A_6, %get3A_7] : memref<1x128xf32, #tpu.memory_space<vmem>>, vector<1x128xf32>
    %add3A = vector.broadcast %get3A_8 : vector<1x128xf32> to vector<16384x128xf32>
    %add3A_9 = arith.addf %dot_general3A_5, %add3A : vector<16384x128xf32>
    %swap3A = arith.constant 0 : index
    %swap3A_10 = arith.constant 0 : index
    %swap3A_11 = vector.load %arg4[%swap3A, %swap3A_10] : memref<16384x128xf32, #tpu.memory_space<vmem>>, vector<16384x128xf32>
    tpu.vector_store %arg4[%swap3A, %swap3A_10], %add3A_9 {strides = array<i32>} : memref<16384x128xf32, #tpu.memory_space<vmem>>, vector<16384x128xf32>,
    %eq3A = arith.constant 0 : i32
    %eq3A_12 = arith.cmpi eq, %arg0, %eq3A : i32
    %convert_element_type3A = arith.extui %eq3A_12 : i1 to i32
    %cond3A = arith.constant 0 : i32
    %cond3A_13 = arith.cmpi ne, %convert_element_type3A, %cond3A : i32
    scf.if %cond3A_13 {
      %get3A_14 = arith.constant 0 : index
      %get3A_15 = arith.constant 0 : index
      %get3A_16 = vector.load %arg3[%get3A_14, %get3A_15] : memref<1x128xf32, #tpu.memory_space<vmem>>, vector<1x128xf32>
      %swap3A_17 = arith.constant 0 : index
      %swap3A_18 = arith.constant 0 : index
      %swap3A_19 = vector.load %arg4[%swap3A_17, %swap3A_18] : memref<16384x128xf32, #tpu.memory_space<vmem>>, vector<1x128xf32>
      tpu.vector_store %arg4[%swap3A_17, %swap3A_18], %get3A_16 {strides = array<i32>} : memref<16384x128xf32, #tpu.memory_space<vmem>>, vector<1x128xf32>,
    } else {
    }
    return
  }
  func.func @transform_0(%arg0: i32) -> (i32, i32) {
    %c0_i32 = arith.constant 0 : i32
    %c0_i32_0 = arith.constant 0 : i32
    return %c0_i32, %arg0 : i32, i32
  }
  func.func @transform_1(%arg0: i32) -> (i32, i32) {
    %c0_i32 = arith.constant 0 : i32
    %c0_i32_0 = arith.constant 0 : i32
    %c0_i32_1 = arith.constant 0 : i32
    return %c0_i32, %c0_i32_0 : i32, i32
  }
  func.func @transform_2(%arg0: i32) -> (i32, i32) {
    %c0_i32 = arith.constant 0 : i32
    %c0_i32_0 = arith.constant 0 : i32
    %c0_i32_1 = arith.constant 0 : i32
    return %c0_i32, %c0_i32_0 : i32, i32
  }
  func.func @transform_3(%arg0: i32) -> (i32, i32) {
    %c0_i32 = arith.constant 0 : i32
    %c0_i32_0 = arith.constant 0 : i32
    return %arg0, %c0_i32 : i32, i32
  }
}

</mosaic_0001>

<sc_bundles>
// kernel: kernel.4.cloned.1.call-start
scs
__scs_entry_jumppad:
0x0: {  	(pc) =	sbr.rel $0x88, $3  }
0x1: {  	(tag) =	ssettag $0x0;
	lr =	simm.s32 $0x1  }
0x2: {  	[smem:$0x3F9D] =	sst lr;
	_ =	strace $0xD0000000  }
0x3: {  	_ = 	snop  }
0x4: {  	_ = 	snop  }
0x5: {  	_ = 	snop  }
0x6: {  	_ = 	snop  }
0x7: {  	_ = 	snop  }
__scs_overlays_trampoline_lowered:
0x8: {  	[smem:$0x3FAC] =	sst s0  }
0x9: {  	[smem:$0x3FAD] =	sst s1  }
0xa: {  	[smem:$0x3FAE] =	sst s2  }
0xb: {  	[smem:$0x3FAF] =	sst s3  }
0xc: {  	[smem:$0x3FB0] =	sst s4  }
0xd: {  	[smem:$0x3FB1] =	sst s5  }
0xe: {  	[smem:$0x3FB2] =	sst s6  }
0xf: {  	[smem:$0x3FB3] =	sst s7  }
0x10: {  	[smem:$0x3FB4] =	sst s8  }
0x11: {  	[smem:$0x3FB5] =	sst s9;
	s0 =	simm.s32 @!p0 $0x0  }
0x12: {  	s1 =	sld [smem:$0x3F9B];
	s0 =	simm.s32 @p0 $0x1  }
0x13: {  	[smem:$0x3FB6] =	sst s0;
	s0 =	simm.s32 @!p1 $0x0  }
0x14: {  	s2 =	sld [smem:$0x3F9A];
	s0 =	simm.s32 @p1 $0x1  }
0x15: {  	[smem:$0x3FB7] =	sst s0;
	s0 =	simm.s32 @!p2 $0x0  }
0x16: {  	s3 =	sld [smem:$0x3FDB];
	s0 =	simm.s32 @p2 $0x1  }
0x17: {  	s4 =	simm.s32 $0x1BF5;
	[smem:$0x3FB9] =	sst s0  }
0x18: {  	s0 =	sld [smem:$0x3F9C];
	_ =	swait.ge [sflag:s4], $0x0  }
0x19: {  	s7 =	sld [smem:$0x3F9D]  }
0x1a: {  	s8 =	sadd.s32 $0xFFFFE003, lr  }
0x1b: {  	s9 =	sadd.s32 $0xFFFFFEF7, lr;
	s5 =	simm.s32 $0xFFFFFFFF;
	p2 =	slt.u32 s8, $0xFFFFF086  }
0x1c: {  	p1 =	slt.u32 s9, $0xF7A;
	s5 =	simm.s32 @!p2 $0x0  }
0x1d: {  	s5 =	simm.s32 @p1 $0x1;
	p0 =	seq.s32 s7, s2  }
0x1e: {  	s7 =	smul.u32 @!p0 $0xF7A, s2;
	p2 =	seq.s32 @!p0 s5, $0x0  }
0x1f: {  	s9 =	smul.u32 $0xF7A, s1;
	s8 =	simm.s32 @!p0 $0x1BF5;
	p2 =	por !p2, p0  }
0x20: {  	[sflag:s8] =	ssyncset.s32 @!p0 $0xFFFFF086;
	s6 =	sadd.s32 @!p0 s3, s7;
	s7 =	simm.s32 @!p0 $0x108  }
0x21: {  	s3 =	sadd.s32 s3, s9;
	s6 =	sadd.s32 @!p0 $0x88, s6;
	s7 =	simm.s32 @p2 $0x1082  }
0x22: {  	[simem:s7], [sflag:s8] =	dma.local @!p0 [hbm:s6], $0xF7A  }
0x23: {  	s9 =	sor.u32 $0xD0000000, s2;
	s6 =	simm.s32 $0x108;
	_ =	swait.ge @!p0 [sflag:s8], $0x0  }
0x24: {  	s3 =	sadd.s32 $0x88, s3;
	s6 =	simm.s32 @!p1 $0x1082;
	[sflag:s4] =	ssyncset.s32 $0xFFFFF086  }
0x25: {  	[simem:s6], [sflag:s4] =	dma.local [hbm:s3], $0xF7A  }
0x26: {  	[smem:$0x3F9D] =	sst s1;
	(tag) =	ssettag s2;
	_ =	strace s9  }
0x27: {  	s1 =	sld [smem:$0x3FAD]  }
0x28: {  	s2 =	sld [smem:$0x3FAE]  }
0x29: {  	s4 =	sld [smem:$0x3FB0]  }
0x2a: {  	p0 =	seq.s32 s5, $0x0;
	s5 =	sld [smem:$0x3FB1]  }
0x2b: {  	s6 =	sld [smem:$0x3FB2]  }
0x2c: {  	s7 =	sld [smem:$0x3FB3]  }
0x2d: {  	s3 =	simm.s32 $0x108;
	s8 =	sld [smem:$0x3FB4]  }
0x2e: {  	s3 =	simm.s32 @!p0 $0x1082;
	s9 =	sld [smem:$0x3FB5]  }
0x2f: {  	lr =	sadd.s32 s0, s3;
	s0 =	sld [smem:$0x3FAC]  }
0x30: {  	s3 =	sld [smem:$0x3FAF]  }
0x31: {  	[smem:$0x3FB8] =	sst s10  }
0x32: {  	s10 =	sld [smem:$0x3FB6];
	_ =	sdelay $0x3  }
0x33: {  	p0 =	seq.s32 s10, $0x1;
	s10 =	sld [smem:$0x3FB8];
	_ =	sdelay $0x3  }
0x34: {  	[smem:$0x3FB8] =	sst s10  }
0x35: {  	s10 =	sld [smem:$0x3FB7];
	_ =	sdelay $0x3  }
0x36: {  	p1 =	seq.s32 s10, $0x1;
	s10 =	sld [smem:$0x3FB8];
	_ =	sdelay $0x3  }
0x37: {  	[smem:$0x3FB8] =	sst s10  }
0x38: {  	s10 =	sld [smem:$0x3FB9]  }
0x39: {  	_ = 	snop;
	(pc) =	sbr.ind lr, $3  }
0x3a: {  	_ = 	snop  }
0x3b: {  	_ = 	snop  }
0x3c: {  	p2 =	seq.s32 s10, $0x1;
	s10 =	sld [smem:$0x3FB8]  }
0x3d: {  	_ =	shalt  }
0x3e: {  	_ =	shalt  }
0x3f: {  	_ =	shalt  }
0x40: {  	_ =	shalt  }
0x41: {  	_ =	shalt  }
0x42: {  	_ =	shalt  }
0x43: {  	_ =	shalt  }
0x44: {  	_ =	shalt  }
0x45: {  	_ =	shalt  }
0x46: {  	_ =	shalt  }
0x47: {  	_ =	shalt  }
0x48: {  	_ =	shalt  }
0x49: {  	_ =	shalt  }
0x4a: {  	_ =	shalt  }
0x4b: {  	_ =	shalt  }
0x4c: {  	_ =	shalt  }
0x4d: {  	_ =	shalt  }
0x4e: {  	_ =	shalt  }
0x4f: {  	_ =	shalt  }
0x50: {  	_ =	shalt  }
0x51: {  	_ =	shalt  }
0x52: {  	_ =	shalt  }
0x53: {  	_ =	shalt  }
0x54: {  	_ =	shalt  }
0x55: {  	_ =	shalt  }
0x56: {  	_ =	shalt  }
0x57: {  	_ =	shalt  }
0x58: {  	_ =	shalt  }
0x59: {  	_ =	shalt  }
0x5a: {  	_ =	shalt  }
0x5b: {  	_ =	shalt  }
0x5c: {  	_ =	shalt  }
0x5d: {  	_ =	shalt  }
0x5e: {  	_ =	shalt  }
0x5f: {  	_ =	shalt  }
0x60: {  	_ =	shalt  }
0x61: {  	_ =	shalt  }
0x62: {  	_ =	shalt  }
0x63: {  	_ =	shalt  }
0x64: {  	_ =	shalt  }
0x65: {  	_ =	shalt  }
0x66: {  	_ =	shalt  }
0x67: {  	_ =	shalt  }
0x68: {  	_ =	shalt  }
0x69: {  	_ =	shalt  }
0x6a: {  	_ =	shalt  }
0x6b: {  	_ =	shalt  }
0x6c: {  	_ =	shalt  }
0x6d: {  	_ =	shalt  }
0x6e: {  	_ =	shalt  }
0x6f: {  	_ =	shalt  }
0x70: {  	_ =	shalt  }
0x71: {  	_ =	shalt  }
0x72: {  	_ =	shalt  }
0x73: {  	_ =	shalt  }
0x74: {  	_ =	shalt  }
0x75: {  	_ =	shalt  }
0x76: {  	_ =	shalt  }
0x77: {  	_ =	shalt  }
0x78: {  	_ =	shalt  }
0x79: {  	_ =	shalt  }
0x7a: {  	_ =	shalt  }
0x7b: {  	_ =	shalt  }
0x7c: {  	_ =	shalt  }
0x7d: {  	_ =	shalt  }
0x7e: {  	_ =	shalt  }
0x7f: {  	_ =	shalt  }
0x80: {  	_ =	shalt  }
0x81: {  	_ =	shalt  }
0x82: {  	_ =	shalt  }
0x83: {  	_ =	shalt  }
0x84: {  	_ =	shalt  }
0x85: {  	_ =	shalt  }
0x86: {  	_ =	shalt  }
0x87: {  	_ =	shalt  }
.Lfunc_end0:
.L_simem_size_0:
called_computation_lowered:
.L_overlay_start_0:
0x88: {  	s2 =	sld [smem:$0x3FD9]  }
0x89: {  	s3 =	sld [smem:$0x3FFE];
	_ =	sdelay $0x1  }
0x8a: {  	s1 =	srdreg.scid  }
0x8b: {  	s0 =	sand.u32 $0x1, s1  }
0x8c: {  	s17 =	sshll.u32 s0, $0xA;
	s2 =	sadd.s32 s3, s2  }
0x8d: {  	s2 =	sadd.s32 s2, s17  }
0x8e: {  	[smem:$0x3FC4] =	sst s2  }
0x8f: {  	_ = 	snop  }
0x90: {  	s2 =	sld [smem:$0x3FC9]  }
0x91: {  	s18 =	sld [smem:$0x3FD0];
	(tm) =	ssettm $0x1  }
0x92: {  	s4 =	sld [smem:$0x3FFB];
	_ =	sdelay $0x3  }
0x93: {  	_ =	strace s4  }
0x94: {  	s4 =	sld [smem:$0x3FFC];
	_ =	sdelay $0x3  }
0x95: {  	_ =	strace s4  }
0x96: {  	s4 =	sld [smem:$0x3FFD];
	_ =	sdelay $0x3  }
0x97: {  	_ =	strace s4  }
0x98: {  	_ =	strace $0x8FFFFFFF  }
0x99: {  	s19 =	sld [smem:$0x3FDB];
	_ =	sdelay $0x1  }
0x9a: {  	s5 =	simm.s32 $_scs_section_size  }
0x9b: {  	s6 =	simm.s32 $_size__tile_overlayer_lowered;
	s7 =	simm.s32 $_tile_overlayer_lowered  }
0x9c: {  	s22 =	simm.s32 $0x1BFF;
	s21 =	sshll.u32 s7, $0x1;
	s4 =	sadd.s32 s5, s19  }
0x9d: {  	s8 =	simm.s32 $0x0;
	s20 =	sshll.u32 s6, $0x1;
	s6 =	sadd.s32 s21, s4  }
0x9e: {  	[timem:s8], [sflag:s22] =	dma.local [hbm:s6], s20  }
0x9f: {  	_ =	swait.ge [sflag:s22], s20  }
0xa0: {  	s5 =	ssub.s32 $0x0, s20;
	[sflag:s22] =	ssyncset.done $0x0  }
0xa1: {  	[sflag:s22] =	ssyncadd.s32 s5;
	_ =	sdelay $0x1  }
0xa2: {  	s23 =	simm.s32 $0x1B8B  }
0xa3: {  	_ =	swait.ge [sflag:s23], $0x1  }
0xa4: {  	[sflag:s23] =	ssyncset.done $0x0  }
0xa5: {  	s25 =	simm.s32 $0x1B8E;
	s24 =	sld [smem:$0x3FFE];
	[sflag:s23] =	ssyncadd.s32 $0xFFFFFFFF  }
0xa6: {  	s26 =	simm.s32 $execute0_lowered;
	[smem:$0x3FD2] =	sst s25  }
0xa7: {  	s6 =	sshll.u32 s26, $0x1;
	_ =	strace $0x80000046;
	[dreg:$0x1] =	wrdreg $0xFFFFFFFF  }
0xa8: {  	s28 =	simm.s32 $_size_execute0_lowered;
	s4 =	sadd.s32 s4, s6;
	[dreg:$0x0] =	wrdreg $0x0  }
0xa9: {  	s6 =	sshll.u32 s28, $0x1;
	[dreg:$0x2] =	wrdreg s4  }
0xaa: {  	[dreg:$0x3] =	wrdreg s6  }
0xab: {  	[dreg:$0x4] =	wrdreg $0xC0  }
0xac: {  	_ =	task [dreg:s8], $0x5FFFF  }
0xad: {  	[dreg:$0x1] =	wrdreg $0xFFFFFFFF  }
0xae: {  	[dreg:$0x0] =	wrdreg $0x60  }
0xaf: {  	[dreg:$0x2] =	wrdreg s2  }
0xb0: {  	[dreg:$0x3] =	wrdreg s24  }
0xb1: {  	[dreg:$0x4] =	wrdreg s18  }
0xb2: {  	[dreg:$0x5] =	wrdreg $0x9  }
0xb3: {  	_ =	task.clear_ibuf [dreg:s8], $0x6FFFF;
	_ =	strace $0x90000046  }
0xb4: {  	s29 =	simm.s32 $0x9;
	_ =	strace $0x80000048  }
0xb5: {  	_ =	swait.ge [sflag:s29], $0x1  }
0xb6: {  	[sflag:s29] =	ssyncadd.s32 $0xFFFFFFFF  }
0xb7: {  	_ =	strace $0x90000048  }
0xb8: {  	_ =	sfence  }
0xb9: {  	s30 =	sld [smem:$0x0];
	_ =	sdelay $0x2  }
0xba: {  	s31 =	sshll.u32 s1, $0xD;
	s1 =	sshrl.u32 s1, $0x2  }
0xbb: {  	s3 =	sand.u32 $0x4000, s31;
	s1 =	sadd.s32 s1, s30  }
0xbc: {  	s0 =	sor.u32 s3, s0;
	s1 =	sshll.u32 s1, $0x11  }
0xbd: {  	s0 =	sor.u32 s1, s0  }
0xbe: {  	s0 =	sadd.s32 $0x8F2B, s0  }
0xbf: {  	[sflag:s0] =	ssyncadd.remote.s32 $0x1  }
0xc0: {  	_ =	sfence.sel $0xFFFF  }
0xc1: {  	[dreg:$0x0] =	wrdreg $0xFFFFFFFF;
	(pc) =	sbr.abs _section_cstart, $3  }
0xc2: {  	[dreg:$0x1] =	wrdreg $0xFFFFFFFF  }
0xc3: {  	_ =	task.clear_ibuf [dreg:s8], $0x2FFFF;
	_ =	strace $0x9FFFFFFF  }
0xc4: {  	(tm) =	ssettm $0x7FFFFFFF  }
0xc5: {  	_ =	shalt  }
tec
execute0_lowered:
.L_overlay_start_1:
0x0: {  	(tag) =	ssettag $0x1  }
0x1: {  	s4 =	rddreg [dreg:$0x0]  }
0x2: {  	s2 =	rddreg [dreg:$0x1]  }
0x3: {  	s5 =	rddreg [dreg:$0x2]  }
0x4: {  	s0 =	rddreg [dreg:$0x3]  }
0x5: {  	s1 =	simm.s32 $0x0;
	s3 =	srdreg.scid;
	s11 =	simm.s32 $0x400  }
0x6: {  	s12 =	simm.s32 $0xB000;
	s13 =	simm.s32 $0x800;
	s14 =	simm.s32 $0xF000  }
0x7: {  	s15 =	simm.s32 $0x80;
	s16 =	simm.s32 $0x13000;
	s17 =	simm.s32 $0x1  }
0x8: {  	s18 =	simm.s32 $0x2;
	s19 =	simm.s32 $0x3;
	s20 =	simm.s32 $0x4  }
0x9: {  	s21 =	simm.s32 $0x5;
	s22 =	simm.s32 $0x6;
	s23 =	simm.s32 $0x7  }
0xa: {  	s24 =	simm.s32 $0x8;
	s25 =	simm.s32 $0x0;
	[smem:$0x7FF] =	sst s1  }
0xb: {  	s6 =	sand.u32 $0x1, s3;
	s3 =	sadd.s32 $0x800, s2;
	s2 =	stileid.u32  }
0xc: {  	_ =	strace $0x80000047;
	s7 =	ssub.s32 $0x2, s6;
	s9 =	sshll.u32 s2, $0xA  }
.Ltmp0:
0xd: {  	s10 =	sshll.u32 s6, $0x9;
	s30 =	sshll.u32 s2, $0xE;
	(pc) =	sbr.rel .LBB2_1-.Ltmp0, $4  }
0xe: {  	s6 =	sshll.u32 s6, $0xD;
	s8 =	sshrl.u32 s7, $0x1;
	s29 =	sor.u32 s10, s9  }
0xf: {  	s31 =	sadd.s32 s30, s5;
	s9 =	simm.s32 $0x9;
	s10 =	simm.s32 $0x7000  }
0x10: {  	s7 =	ssub.s32 s7, s8;
	s4 =	sadd.s32 s4, s29;
	s6 =	sadd.s32 s6, s31  }
0x11: {  	s8 =	simm.s32 $0x20000;
	s5 =	smax.u32 s7, $0x1;
	s7 =	simm.s32 $0x1000  }
.LBB2_4:
0x12: {  	_ =	swait.ge [sflag:s22], $0x4000  }
0x13: {  	[sflag:s22] =	ssyncset.done $0x0  }
0x14: {  	s25 =	sadd.s32 $0x1, s25;
	[sflag:s22] =	ssyncadd.s32 $0xFFFFC000  }
0x15: {  	p0 =	sne.s32 s25, s5;
	_ =	swait.ge [sflag:s23], $0x4000  }
.Ltmp1:
0x16: {  	[sflag:s23] =	ssyncset.done $0x0;
	(pc) =	sbr.rel @!p0 .LBB2_5-.Ltmp1, $4  }
0x17: {  	[sflag:s23] =	ssyncadd.s32 $0xFFFFC000  }
0x18: {  	_ =	swait.ge [sflag:s24], $0x4000  }
0x19: {  	[sflag:s24] =	ssyncset.done $0x0  }
0x1a: {  	[sflag:s24] =	ssyncadd.s32 $0xFFFFC000  }
.LBB2_1:
0x1b: {  	[tilespmem:s1], [sflag:$0x9] =	stream.strided.gather [hbm4b:s4+s7], $0x7000, s8, s7, $0x38;
	[tilespmem:$0x17000] =	vst v63  }
0x1c: {  	_ =	swait.ge [sflag:s9], $0x7000  }
0x1d: {  	[sflag:s9] =	ssyncset.done $0x0  }
0x1e: {  	[sflag:s9] =	ssyncadd.s32 $0xFFFF9000  }
0x1f: {  	[tilespmem:s10], [sflag:$0x1] =	stream.indirect.gather [hbm4b:s3+s15], $0x80, s1, s15, $0xb8;
	[tilespmem:$0x17000] =	vst v63  }
0x20: {  	s26 =	simm.s32 $0x200  }
0x21: {  	[tilespmem:s12], [sflag:$0x2] =	stream.indirect.gather [hbm4b:s3+s15], $0x80, s11, s15, $0xb8;
	[tilespmem:$0x17000] =	vst v63  }
0x22: {  	s28 =	simm.s32 $0x0;
	s29 =	simm.s32 $0x80;
	s30 =	simm.s32 $0x0  }
0x23: {  	[tilespmem:s14], [sflag:$0x3] =	stream.indirect.gather [hbm4b:s3+s15], $0x80, s13, s15, $0xb8;
	[tilespmem:$0x17000] =	vst v63  }
.LBB2_2:
0x24: {  	s30 =	sadd.s32 $0xC00, s30  }
0x25: {  	[tilespmem:s16], [sflag:$0x4] =	stream.indirect.gather [hbm4b:s3+s15], $0x80, s30, s15, $0xb8;
	[tilespmem:$0x17000] =	vst v63  }
0x26: {  	_ =	swait.ge [sflag:s17], $0x4000  }
0x27: {  	[sflag:s17] =	ssyncset.done $0x0  }
0x28: {  	s30 =	sadd.s32 s28, s6;
	[sflag:s17] =	ssyncadd.s32 $0xFFFFC000  }
0x29: {  	[hbm4b:s30+s1] =	stream.linear.scatter [tilespmem:s10], [sflag:$0x5], $0x4000, $0x38;
	[tilespmem:$0x17000] =	vst v63  }
0x2a: {  	_ =	swait.ge [sflag:s18], $0x4000  }
0x2b: {  	[sflag:s18] =	ssyncset.done $0x0  }
0x2c: {  	s31 =	sadd.s32 $0x800, s30;
	[sflag:s18] =	ssyncadd.s32 $0xFFFFC000  }
0x2d: {  	[hbm4b:s31+s1] =	stream.linear.scatter [tilespmem:s12], [sflag:$0x6], $0x4000, $0x38;
	[tilespmem:$0x17000] =	vst v63  }
0x2e: {  	_ =	swait.ge [sflag:s19], $0x4000  }
0x2f: {  	[sflag:s19] =	ssyncset.done $0x0  }
0x30: {  	s31 =	sadd.s32 $0x1000, s30;
	[sflag:s19] =	ssyncadd.s32 $0xFFFFC000  }
0x31: {  	[hbm4b:s31+s1] =	stream.linear.scatter [tilespmem:s14], [sflag:$0x7], $0x4000, $0x38;
	[tilespmem:$0x17000] =	vst v63  }
0x32: {  	_ =	swait.ge [sflag:s20], $0x4000  }
0x33: {  	p0 =	seq.s32 s28, $0xC40000;
	[sflag:s20] =	ssyncset.done $0x0  }
.Ltmp2:
0x34: {  	s30 =	sadd.s32 $0x1800, s30;
	[sflag:s20] =	ssyncadd.s32 $0xFFFFC000;
	(pc) =	sbr.rel @p0 .LBB2_4-.Ltmp2, $4  }
0x35: {  	[hbm4b:s30+s1] =	stream.linear.scatter [tilespmem:s16], [sflag:$0x8], $0x4000, $0x38;
	[tilespmem:$0x17000] =	vst v63  }
0x36: {  	_ =	swait.ge [sflag:s21], $0x4000  }
0x37: {  	[sflag:s21] =	ssyncset.done $0x0  }
0x38: {  	[sflag:s21] =	ssyncadd.s32 $0xFFFFC000  }
0x39: {  	s30 =	sand.u32 $0xF000, s26;
	s31 =	sand.u32 $0x380, s29  }
0x3a: {  	s30 =	sor.u32 s31, s30  }
0x3b: {  	[tilespmem:s10], [sflag:$0x1] =	stream.indirect.gather [hbm4b:s3+s15], $0x80, s30, s15, $0xb8;
	[tilespmem:$0x17000] =	vst v63  }
0x3c: {  	_ =	swait.ge [sflag:s22], $0x4000  }
0x3d: {  	[sflag:s22] =	ssyncset.done $0x0  }
0x3e: {  	s31 =	sor.u32 $0x400, s30;
	[sflag:s22] =	ssyncadd.s32 $0xFFFFC000  }
0x3f: {  	[tilespmem:s12], [sflag:$0x2] =	stream.indirect.gather [hbm4b:s3+s15], $0x80, s31, s15, $0xb8;
	[tilespmem:$0x17000] =	vst v63  }
0x40: {  	_ =	swait.ge [sflag:s23], $0x4000  }
0x41: {  	[sflag:s23] =	ssyncset.done $0x0  }
.Ltmp3:
0x42: {  	s31 =	sor.u32 $0x800, s30;
	[sflag:s23] =	ssyncadd.s32 $0xFFFFC000;
	(pc) =	sbr.rel .LBB2_2-.Ltmp3, $4  }
0x43: {  	[tilespmem:s14], [sflag:$0x3] =	stream.indirect.gather [hbm4b:s3+s15], $0x80, s31, s15, $0xb8;
	[tilespmem:$0x17000] =	vst v63  }
0x44: {  	_ =	swait.ge [sflag:s24], $0x4000  }
0x45: {  	s26 =	sadd.s32 $0x200, s26;
	[sflag:s24] =	ssyncset.done $0x0  }
0x46: {  	s29 =	sadd.s32 $0x80, s29;
	s28 =	sadd.s32 $0x40000, s28;
	[sflag:s24] =	ssyncadd.s32 $0xFFFFC000  }
.LBB2_5:
0x47: {  	_ =	sfence.sel $0x180000  }
0x48: {  	[bflag:$0x0] =	sbarrier.arrive $0xFFFF  }
0x49: {  	p0 =	sne.s32 s2, $0x0;
	_ =	strace $0x90000047  }
0x4a: {  	s0 =	sadd.s32 @!p0 $0x100000, s0;
	[bflag:$0x2] =	sbarrier.arrive $0xFFFF  }
0x4b: {  	[sflag:s0] =	ssyncadd.tile.s32 @!p0 $0x1;
	_ =	shalt  }
.Lfunc_end2:
_tile_overlayer_lowered:
.L_overlay_start_2:
0x4c: {  	(tag) =	ssettag $0x2  }
0x4d: {  	s0 =	rddreg [dreg:$0x0];
	s2 =	stileid.u32  }
0x4e: {  	s1 =	rddreg [dreg:$0x1];
	p0 =	sne.s32 s2, $0x0  }
0x4f: {  	s3 =	rddreg [dreg:$0x2];
	[bflag:$0x3] =	sbarrier.arrive $0xFFFF;
	s2 =	simm.s32 @!p0 $0x1C09  }
0x50: {  	[timem:s3], [sflag:s2] =	dma.local @!p0 [hbm:s0], s1  }
0x51: {  	s0 =	simm.s32 @!p0 $0x9  }
0x52: {  	_ =	swait.ge @!p0 [sflag:s0], s1  }
0x53: {  	s1 =	ssub.s32 @!p0 $0x0, s1;
	[sflag:s0] =	ssyncset.done @!p0 $0x0  }
0x54: {  	[sflag:s0] =	ssyncadd.s32 @!p0 s1  }
0x55: {  	[bflag:$0x3] =	sbarrier.arrive $0xFFFF  }
0x56: {  	_ =	shalt  }

</sc_bundles>
